<compile_context>
chip_gen: v7x
topology: tpu7x:2x2x1
jax: 0.10.2.dev20260603
libtpu: 0.0.44.dev20260713+nightly
codegen_flags: <defaults>
</compile_context>

<pallas_src>
import functools

import jax
import jax.numpy as jnp
from jax import lax
from jax.experimental import pallas as pl
from jax.experimental.pallas import tpu as pltpu
from jax.experimental.pallas import tpu_sc as plsc

_NW = 32
_RPW = 64
_CHR = 16
_PPASS = 32
_CPP = _PPASS // _CHR
_NBUF = 5


def _sc_body(lens_hbm, x_hbm, pe_hbm, out_hbm, pe_v, buf_v, lens_vv, in_sem, out_sem):
    nb, _, d = x_hbm.shape
    ngrp = d // 16
    npp = nb * _CPP
    nt = (_RPW // _PPASS) * npp
    cid = lax.axis_index("c")
    sid = lax.axis_index("s")
    w = sid * 2 + cid
    s0 = w * _RPW

    pltpu.sync_copy(pe_hbm.at[pl.ds(s0, _PPASS)], pe_v)
    pltpu.sync_copy(lens_hbm, lens_vv)

    def rows_of(t):
        h = t // npp
        u = t - h * npp
        bi = u // _CPP
        ci = u - bi * _CPP
        return bi, h * _PPASS + ci * _CHR, ci * _CHR

    def in_copy(t, p):
        bi, row_abs, _ = rows_of(t)
        return pltpu.make_async_copy(
            x_hbm.at[bi, pl.ds(s0 + row_abs, _CHR)], buf_v.at[p], in_sem.at[p]
        )

    def out_copy(t, p):
        bi, row_abs, _ = rows_of(t)
        return pltpu.make_async_copy(
            buf_v.at[p], out_hbm.at[bi, pl.ds(s0 + row_abs, _CHR)], out_sem.at[p]
        )

    in_copy(0, 0).start()
    in_copy(1, 1).start()
    in_copy(2, 2).start()

    def step(t, _):
        p = t % _NBUF

        @pl.when(t + 3 < nt)
        def _prefetch():
            q = (t + 3) % _NBUF

            @pl.when(t - 2 >= 0)
            def _drain():
                out_copy(t - 2, q).wait()

            in_copy(t + 3, q).start()

        @pl.when(t == npp)
        def _restage_pe():
            pltpu.sync_copy(pe_hbm.at[pl.ds(s0 + _PPASS, _PPASS)], pe_v)

        bi, row_abs, row_pe = rows_of(t)
        len_sc = lens_vv[bi][0]
        na = jnp.clip(len_sc - (s0 + row_abs), 0, _CHR) * 0 + _CHR

        in_copy(t, p).wait()

        @plsc.parallel_loop(0, na * ngrp, unroll=16)
        def _add(g):
            ri = lax.shift_right_logical(g, 6)
            gi = g & (ngrp - 1)
            sl = pl.ds(gi * 16, 16)
            buf_v[p, ri, sl] = buf_v[p, ri, sl] + pe_v[row_pe + ri, sl]

        out_copy(t, p).start()
        return 0

    lax.fori_loop(0, nt, step, 0)

    for tt in range(max(nt - 5, 0), nt):
        out_copy(tt, tt % _NBUF).wait()


def kernel(x, start_indices, end_indices, clip_length, pe):
    b, s, d = x.shape
    lengths = jnp.minimum(
        end_indices.astype(jnp.int32) - start_indices.astype(jnp.int32) + 1,
        jnp.int32(clip_length),
    )
    lens_b16 = jnp.broadcast_to(lengths[:, None], (b, 16))
    pe_s = pe[:s]

    mesh = plsc.VectorSubcoreMesh(core_axis_name="c", subcore_axis_name="s")
    run = functools.partial(
        pl.kernel,
        _sc_body,
        out_type=jax.ShapeDtypeStruct((b, s, d), x.dtype),
        mesh=mesh,
        scratch_types=[
            pltpu.VMEM((_PPASS, d), jnp.float32),
            pltpu.VMEM((_NBUF, _CHR, d), jnp.float32),
            pltpu.VMEM((16, 16), jnp.int32),
            pltpu.SemaphoreType.DMA((_NBUF,)),
            pltpu.SemaphoreType.DMA((_NBUF,)),
        ],
    )()
    return run(lens_b16, x, pe_s)

# --- scband reference (transcript-rebuilt; emitter-appended) ---
"""Pipeline reference for scband-positional-encoding-24154896072961 (READ-ONLY COPY).

The authoritative reference and input builder live on the scoring server;
editing this copy changes nothing except your own understanding.
"""

import jax, jax.numpy as jnp
import numpy as np

D_MODEL = 1024
MAX_LEN = 50000
B = 16
S = 2048
CLIP = 2048


def _make_pe():
    position = np.arange(MAX_LEN, dtype=np.float32)[:, None]
    div_term = np.exp(np.arange(0, D_MODEL, 2, dtype=np.float32) * (-np.log(10000.0) / D_MODEL))
    pe = np.zeros((MAX_LEN, D_MODEL), dtype=np.float32)
    pe[:, 0::2] = np.sin(position * div_term)
    pe[:, 1::2] = np.cos(position * div_term)
    return jnp.asarray(pe)


def setup_inputs(seed: int = 0) -> dict:
    key = jax.random.key(seed)
    k1, k2 = jax.random.split(key)
    x = jax.random.normal(k1, (B, S, D_MODEL), dtype=jnp.float32)
    start_indices = jnp.zeros((B,), dtype=jnp.int32)
    end_indices = jax.random.randint(k2, (B,), 0, CLIP, dtype=jnp.int32)
    pe = _make_pe()
    return {"x": x, "start_indices": start_indices, "end_indices": end_indices, "clip_length": CLIP, "pe": pe}


def reference(x, start_indices, end_indices, clip_length, pe):
    b, s, d = x.shape
    L = pe.shape[0]
    lengths = end_indices - start_indices + 1
    lengths = jnp.minimum(lengths, clip_length)
    M = CLIP
    rel_pos = jnp.broadcast_to(jnp.arange(M, dtype=jnp.int32)[None, :], (b, M))
    abs_pos = jnp.clip(start_indices[:, None] + rel_pos, 0, L - 1)
    sl = jnp.take(pe, abs_pos, axis=0)  # (b, M, d) gather from pe table
    mask = (rel_pos < lengths[:, None]).astype(sl.dtype)
    sl = sl * mask[:, :, None]
    pad = jnp.zeros((b, CLIP - M, d), dtype=sl.dtype)
    sl = jnp.concatenate([sl, pad], axis=1)
    # dropout p=0.0 -> identity
    return x + sl[:, :s, :]

if __name__ == "__main__":
    import jax
    _d = setup_inputs()
    print(jax.jit(kernel)(*tuple(_d.values())))

</pallas_src>

<mosaic_0001>
#map = affine_map<(d0, d1) -> (0, 0)>
#map1 = affine_map<(d0, d1) -> (0, 0, 0)>
module attributes {stable_mosaic.version = 14 : i64} {
  func.func @_sc_body(%arg0: i32, %arg1: i32, %arg2: memref<16x16xi32, #tpu.memory_space<hbm>>, %arg3: memref<16x2048x1024xf32, #tpu.memory_space<hbm>>, %arg4: memref<2048x1024xf32, #tpu.memory_space<hbm>>, %arg5: memref<16x2048x1024xf32, #tpu.memory_space<hbm>>, %arg6: memref<32x1024xf32, #tpu.memory_space<vmem>>, %arg7: memref<5x16x1024xf32, #tpu.memory_space<vmem>>, %arg8: memref<16x16xi32, #tpu.memory_space<vmem>>, %arg9: memref<5x!tpu.dma_semaphore, #tpu.memory_space<semaphore_mem>>, %arg10: memref<5x!tpu.dma_semaphore, #tpu.memory_space<semaphore_mem>>) attributes {dimension_semantics = [#tpu.dimension_semantics<core_parallel>, #tpu.dimension_semantics<subcore_parallel>], iteration_bounds = array<i64: 2, 16>, scalar_prefetch = 0 : i64, scratch_operands = 5 : i64, tpu.core_type = #tpu.core_type<sc_vector_subcore>, window_params = [{transform_indices = #map}, {transform_indices = #map1}, {transform_indices = #map}, {transform_indices = #map1}]} {
    %mul3A = arith.constant 2 : i32
    %mul3A_0 = arith.muli %arg1, %mul3A : i32
    %add3A = arith.addi %mul3A_0, %arg0 : i32
    %mul3A_1 = arith.constant 64 : i32
    %mul3A_2 = arith.muli %add3A, %mul3A_1 : i32
    "tpu.region"() ({
      %run_scoped3A = tpu.sem_alloc : memref<!tpu.dma_semaphore, #tpu.memory_space<semaphore_mem>>
      %dma_start3A_175 = arith.constant 0 : i32
      %dma_start3A_176 = tpu.memref_slice %arg4[%mul3A_2, %dma_start3A_175] : memref<2048x1024xf32, #tpu.memory_space<hbm>> -> memref<32x1024xf32, #tpu.memory_space<hbm>>
      %dma_start3A_177 = arith.constant 0 : i32
      %dma_start3A_178 = tpu.memref_slice %arg4[%mul3A_2, %dma_start3A_177] : memref<2048x1024xf32, #tpu.memory_space<hbm>> -> memref<32x1024xf32, #tpu.memory_space<hbm>>
      tpu.enqueue_dma source(%dma_start3A_178 : memref<32x1024xf32, #tpu.memory_space<hbm>>) target(%arg6 : memref<32x1024xf32, #tpu.memory_space<vmem>>) target_semaphore(%run_scoped3A : memref<!tpu.dma_semaphore, #tpu.memory_space<semaphore_mem>>)
      %dma_wait3A_179 = arith.constant 0 : i32
      %dma_wait3A_180 = tpu.memref_slice %arg4[%mul3A_2, %dma_wait3A_179] : memref<2048x1024xf32, #tpu.memory_space<hbm>> -> memref<32x1024xf32, #tpu.memory_space<hbm>>
      %dma_wait3A_181 = arith.constant 0 : i32
      %dma_wait3A_182 = tpu.memref_slice %arg4[%mul3A_2, %dma_wait3A_181] : memref<2048x1024xf32, #tpu.memory_space<hbm>> -> memref<32x1024xf32, #tpu.memory_space<hbm>>
      tpu.wait_dma2 semaphore(%run_scoped3A : memref<!tpu.dma_semaphore, #tpu.memory_space<semaphore_mem>>) src(%dma_wait3A_182 : memref<32x1024xf32, #tpu.memory_space<hbm>>) dst(%arg6 : memref<32x1024xf32, #tpu.memory_space<vmem>>)
      tpu.yield
    }) : () -> ()
    "tpu.region"() ({
      %run_scoped3A = tpu.sem_alloc : memref<!tpu.dma_semaphore, #tpu.memory_space<semaphore_mem>>
      tpu.enqueue_dma source(%arg2 : memref<16x16xi32, #tpu.memory_space<hbm>>) target(%arg8 : memref<16x16xi32, #tpu.memory_space<vmem>>) target_semaphore(%run_scoped3A : memref<!tpu.dma_semaphore, #tpu.memory_space<semaphore_mem>>)
      tpu.wait_dma2 semaphore(%run_scoped3A : memref<!tpu.dma_semaphore, #tpu.memory_space<semaphore_mem>>) src(%arg2 : memref<16x16xi32, #tpu.memory_space<hbm>>) dst(%arg8 : memref<16x16xi32, #tpu.memory_space<vmem>>)
      tpu.yield
    }) : () -> ()
    %add3A_3 = arith.constant 0 : i32
    %add3A_4 = arith.addi %mul3A_2, %add3A_3 : i32
    %dma_start3A = arith.constant 0 : i32
    %dma_start3A_5 = arith.constant 0 : i32
    %dma_start3A_6 = arith.constant 0 : i32
    %dma_start3A_7 = arith.constant 0 : i32
    %dma_start3A_8 = arith.constant 0 : i32
    %dma_start3A_9 = tpu.memref_slice %arg7[%dma_start3A_5, %dma_start3A_7, %dma_start3A_8] : memref<5x16x1024xf32, #tpu.memory_space<vmem>> -> memref<1x16x1024xf32, #tpu.memory_space<vmem>>
    %dma_start3A_10 = tpu.memref_squeeze %dma_start3A_9 : memref<1x16x1024xf32, #tpu.memory_space<vmem>> -> memref<16x1024xf32, #tpu.memory_space<vmem>>
    %dma_start3A_11 = arith.constant 0 : i32
    %dma_start3A_12 = tpu.memref_slice %arg3[%dma_start3A, %add3A_4, %dma_start3A_11] : memref<16x2048x1024xf32, #tpu.memory_space<hbm>> -> memref<1x16x1024xf32, #tpu.memory_space<hbm>>
    %dma_start3A_13 = tpu.memref_squeeze %dma_start3A_12 : memref<1x16x1024xf32, #tpu.memory_space<hbm>> -> memref<16x1024xf32, #tpu.memory_space<hbm>>
    %dma_start3A_14 = tpu.memref_slice %arg9[%dma_start3A_6] : memref<5x!tpu.dma_semaphore, #tpu.memory_space<semaphore_mem>> -> memref<1x!tpu.dma_semaphore, #tpu.memory_space<semaphore_mem>>
    %dma_start3A_15 = tpu.memref_squeeze %dma_start3A_14 : memref<1x!tpu.dma_semaphore, #tpu.memory_space<semaphore_mem>> -> memref<!tpu.dma_semaphore, #tpu.memory_space<semaphore_mem>>
    %dma_start3A_16 = arith.constant 0 : i32
    %dma_start3A_17 = arith.constant 0 : i32
    %dma_start3A_18 = tpu.memref_slice %arg7[%dma_start3A_5, %dma_start3A_16, %dma_start3A_17] : memref<5x16x1024xf32, #tpu.memory_space<vmem>> -> memref<1x16x1024xf32, #tpu.memory_space<vmem>>
    %dma_start3A_19 = tpu.memref_squeeze %dma_start3A_18 : memref<1x16x1024xf32, #tpu.memory_space<vmem>> -> memref<16x1024xf32, #tpu.memory_space<vmem>>
    %dma_start3A_20 = arith.constant 0 : i32
    %dma_start3A_21 = tpu.memref_slice %arg3[%dma_start3A, %add3A_4, %dma_start3A_20] : memref<16x2048x1024xf32, #tpu.memory_space<hbm>> -> memref<1x16x1024xf32, #tpu.memory_space<hbm>>
    %dma_start3A_22 = tpu.memref_squeeze %dma_start3A_21 : memref<1x16x1024xf32, #tpu.memory_space<hbm>> -> memref<16x1024xf32, #tpu.memory_space<hbm>>
    tpu.enqueue_dma source(%dma_start3A_22 : memref<16x1024xf32, #tpu.memory_space<hbm>>) target(%dma_start3A_19 : memref<16x1024xf32, #tpu.memory_space<vmem>>) target_semaphore(%dma_start3A_15 : memref<!tpu.dma_semaphore, #tpu.memory_space<semaphore_mem>>)
    %add3A_23 = arith.constant 16 : i32
    %add3A_24 = arith.addi %mul3A_2, %add3A_23 : i32
    %dma_start3A_25 = arith.constant 0 : i32
    %dma_start3A_26 = arith.constant 1 : i32
    %dma_start3A_27 = arith.constant 1 : i32
    %dma_start3A_28 = arith.constant 0 : i32
    %dma_start3A_29 = arith.constant 0 : i32
    %dma_start3A_30 = tpu.memref_slice %arg7[%dma_start3A_26, %dma_start3A_28, %dma_start3A_29] : memref<5x16x1024xf32, #tpu.memory_space<vmem>> -> memref<1x16x1024xf32, #tpu.memory_space<vmem>>
    %dma_start3A_31 = tpu.memref_squeeze %dma_start3A_30 : memref<1x16x1024xf32, #tpu.memory_space<vmem>> -> memref<16x1024xf32, #tpu.memory_space<vmem>>
    %dma_start3A_32 = arith.constant 0 : i32
    %dma_start3A_33 = tpu.memref_slice %arg3[%dma_start3A_25, %add3A_24, %dma_start3A_32] : memref<16x2048x1024xf32, #tpu.memory_space<hbm>> -> memref<1x16x1024xf32, #tpu.memory_space<hbm>>
    %dma_start3A_34 = tpu.memref_squeeze %dma_start3A_33 : memref<1x16x1024xf32, #tpu.memory_space<hbm>> -> memref<16x1024xf32, #tpu.memory_space<hbm>>
    %dma_start3A_35 = tpu.memref_slice %arg9[%dma_start3A_27] : memref<5x!tpu.dma_semaphore, #tpu.memory_space<semaphore_mem>> -> memref<1x!tpu.dma_semaphore, #tpu.memory_space<semaphore_mem>>
    %dma_start3A_36 = tpu.memref_squeeze %dma_start3A_35 : memref<1x!tpu.dma_semaphore, #tpu.memory_space<semaphore_mem>> -> memref<!tpu.dma_semaphore, #tpu.memory_space<semaphore_mem>>
    %dma_start3A_37 = arith.constant 0 : i32
    %dma_start3A_38 = arith.constant 0 : i32
    %dma_start3A_39 = tpu.memref_slice %arg7[%dma_start3A_26, %dma_start3A_37, %dma_start3A_38] : memref<5x16x1024xf32, #tpu.memory_space<vmem>> -> memref<1x16x1024xf32, #tpu.memory_space<vmem>>
    %dma_start3A_40 = tpu.memref_squeeze %dma_start3A_39 : memref<1x16x1024xf32, #tpu.memory_space<vmem>> -> memref<16x1024xf32, #tpu.memory_space<vmem>>
    %dma_start3A_41 = arith.constant 0 : i32
    %dma_start3A_42 = tpu.memref_slice %arg3[%dma_start3A_25, %add3A_24, %dma_start3A_41] : memref<16x2048x1024xf32, #tpu.memory_space<hbm>> -> memref<1x16x1024xf32, #tpu.memory_space<hbm>>
    %dma_start3A_43 = tpu.memref_squeeze %dma_start3A_42 : memref<1x16x1024xf32, #tpu.memory_space<hbm>> -> memref<16x1024xf32, #tpu.memory_space<hbm>>
    tpu.enqueue_dma source(%dma_start3A_43 : memref<16x1024xf32, #tpu.memory_space<hbm>>) target(%dma_start3A_40 : memref<16x1024xf32, #tpu.memory_space<vmem>>) target_semaphore(%dma_start3A_36 : memref<!tpu.dma_semaphore, #tpu.memory_space<semaphore_mem>>)
    %add3A_44 = arith.constant 0 : i32
    %add3A_45 = arith.addi %mul3A_2, %add3A_44 : i32
    %dma_start3A_46 = arith.constant 1 : i32
    %dma_start3A_47 = arith.constant 2 : i32
    %dma_start3A_48 = arith.constant 2 : i32
    %dma_start3A_49 = arith.constant 0 : i32
    %dma_start3A_50 = arith.constant 0 : i32
    %dma_start3A_51 = tpu.memref_slice %arg7[%dma_start3A_47, %dma_start3A_49, %dma_start3A_50] : memref<5x16x1024xf32, #tpu.memory_space<vmem>> -> memref<1x16x1024xf32, #tpu.memory_space<vmem>>
    %dma_start3A_52 = tpu.memref_squeeze %dma_start3A_51 : memref<1x16x1024xf32, #tpu.memory_space<vmem>> -> memref<16x1024xf32, #tpu.memory_space<vmem>>
    %dma_start3A_53 = arith.constant 0 : i32
    %dma_start3A_54 = tpu.memref_slice %arg3[%dma_start3A_46, %add3A_45, %dma_start3A_53] : memref<16x2048x1024xf32, #tpu.memory_space<hbm>> -> memref<1x16x1024xf32, #tpu.memory_space<hbm>>
    %dma_start3A_55 = tpu.memref_squeeze %dma_start3A_54 : memref<1x16x1024xf32, #tpu.memory_space<hbm>> -> memref<16x1024xf32, #tpu.memory_space<hbm>>
    %dma_start3A_56 = tpu.memref_slice %arg9[%dma_start3A_48] : memref<5x!tpu.dma_semaphore, #tpu.memory_space<semaphore_mem>> -> memref<1x!tpu.dma_semaphore, #tpu.memory_space<semaphore_mem>>
    %dma_start3A_57 = tpu.memref_squeeze %dma_start3A_56 : memref<1x!tpu.dma_semaphore, #tpu.memory_space<semaphore_mem>> -> memref<!tpu.dma_semaphore, #tpu.memory_space<semaphore_mem>>
    %dma_start3A_58 = arith.constant 0 : i32
    %dma_start3A_59 = arith.constant 0 : i32
    %dma_start3A_60 = tpu.memref_slice %arg7[%dma_start3A_47, %dma_start3A_58, %dma_start3A_59] : memref<5x16x1024xf32, #tpu.memory_space<vmem>> -> memref<1x16x1024xf32, #tpu.memory_space<vmem>>
    %dma_start3A_61 = tpu.memref_squeeze %dma_start3A_60 : memref<1x16x1024xf32, #tpu.memory_space<vmem>> -> memref<16x1024xf32, #tpu.memory_space<vmem>>
    %dma_start3A_62 = arith.constant 0 : i32
    %dma_start3A_63 = tpu.memref_slice %arg3[%dma_start3A_46, %add3A_45, %dma_start3A_62] : memref<16x2048x1024xf32, #tpu.memory_space<hbm>> -> memref<1x16x1024xf32, #tpu.memory_space<hbm>>
    %dma_start3A_64 = tpu.memref_squeeze %dma_start3A_63 : memref<1x16x1024xf32, #tpu.memory_space<hbm>> -> memref<16x1024xf32, #tpu.memory_space<hbm>>
    tpu.enqueue_dma source(%dma_start3A_64 : memref<16x1024xf32, #tpu.memory_space<hbm>>) target(%dma_start3A_61 : memref<16x1024xf32, #tpu.memory_space<vmem>>) target_semaphore(%dma_start3A_57 : memref<!tpu.dma_semaphore, #tpu.memory_space<semaphore_mem>>)
    %scan3A = arith.constant 0 : i32
    %scan3A_65 = arith.constant 0 : i32
    %scan3A_66 = arith.constant 64 : i32
    %scan3A_67 = arith.addi %scan3A_65, %scan3A_66 : i32
    %scan3A_68 = arith.constant 1 : i32
    %scan3A_69 = scf.for %scan3A_175 = %scan3A_65 to %scan3A_67 step %scan3A_68 iter_args(%scan3A_176 = %scan3A) -> (i32)  : i32 {
      %jit3A = arith.constant 5 : i32
      %eq3A = arith.constant 0 : i32
      %eq3A_177 = arith.cmpi eq, %jit3A, %eq3A : i32
      %jit3A_178 = arith.constant 1 : i32
      %select_n3A = arith.select %eq3A_177, %jit3A_178, %jit3A : i32
      %rem3A = arith.remsi %scan3A_175, %select_n3A : i32
      %ne3A = arith.constant 0 : i32
      %ne3A_179 = arith.cmpi ne, %rem3A, %ne3A : i32
      %lt3A = arith.constant 0 : i32
      %lt3A_180 = arith.cmpi slt, %rem3A, %lt3A : i32
      %lt3A_181 = arith.constant 0 : i32
      %lt3A_182 = arith.cmpi slt, %select_n3A, %lt3A_181 : i32
      %ne3A_183 = arith.xori %lt3A_180, %lt3A_182 : i1
      %and3A = arith.andi %ne3A_183, %ne3A_179 : i1
      %add3A_184 = arith.addi %rem3A, %select_n3A : i32
      %select_n3A_185 = arith.select %and3A, %add3A_184, %rem3A : i32
      %add3A_186 = arith.constant 3 : i32
      %add3A_187 = arith.addi %scan3A_175, %add3A_186 : i32
      %lt3A_188 = arith.constant 64 : i32
      %lt3A_189 = arith.cmpi slt, %add3A_187, %lt3A_188 : i32
      %convert_element_type3A = arith.extui %lt3A_189 : i1 to i32
      %cond3A = arith.constant 0 : i32
      %cond3A_190 = arith.cmpi ne, %convert_element_type3A, %cond3A : i32
      scf.if %cond3A_190 {
        %add3A_425 = arith.constant 3 : i32
        %add3A_426 = arith.addi %scan3A_175, %add3A_425 : i32
        %jit3A_427 = arith.constant 5 : i32
        %eq3A_428 = arith.constant 0 : i32
        %eq3A_429 = arith.cmpi eq, %jit3A_427, %eq3A_428 : i32
        %jit3A_430 = arith.constant 1 : i32
        %select_n3A_431 = arith.select %eq3A_429, %jit3A_430, %jit3A_427 : i32
        %rem3A_432 = arith.remsi %add3A_426, %select_n3A_431 : i32
        %ne3A_433 = arith.constant 0 : i32
        %ne3A_434 = arith.cmpi ne, %rem3A_432, %ne3A_433 : i32
        %lt3A_435 = arith.constant 0 : i32
        %lt3A_436 = arith.cmpi slt, %rem3A_432, %lt3A_435 : i32
        %lt3A_437 = arith.constant 0 : i32
        %lt3A_438 = arith.cmpi slt, %select_n3A_431, %lt3A_437 : i32
        %ne3A_439 = arith.xori %lt3A_436, %lt3A_438 : i1
        %and3A_440 = arith.andi %ne3A_439, %ne3A_434 : i1
        %add3A_441 = arith.addi %rem3A_432, %select_n3A_431 : i32
        %select_n3A_442 = arith.select %and3A_440, %add3A_441, %rem3A_432 : i32
        %sub3A_443 = arith.constant 2 : i32
        %sub3A_444 = arith.subi %scan3A_175, %sub3A_443 : i32
        %ge3A = arith.constant 0 : i32
        %ge3A_445 = arith.cmpi sge, %sub3A_444, %ge3A : i32
        %convert_element_type3A_446 = arith.extui %ge3A_445 : i1 to i32
        %cond3A_447 = arith.constant 0 : i32
        %cond3A_448 = arith.cmpi ne, %convert_element_type3A_446, %cond3A_447 : i32
        scf.if %cond3A_448 {
          %sub3A_529 = arith.constant 2 : i32
          %sub3A_530 = arith.subi %scan3A_175, %sub3A_529 : i32
          %jit3A_531 = arith.constant 32 : i32
          %div3A_532 = arith.divsi %sub3A_530, %jit3A_531 : i32
          %sign3A_533 = arith.constant 0 : i32
          %sign3A_534 = arith.cmpi sgt, %sub3A_530, %sign3A_533 : i32
          %sign3A_535 = arith.extui %sign3A_534 : i1 to i32
          %sign3A_536 = arith.constant 0 : i32
          %sign3A_537 = arith.cmpi slt, %sub3A_530, %sign3A_536 : i32
          %sign3A_538 = arith.extui %sign3A_537 : i1 to i32
          %sign3A_539 = arith.subi %sign3A_535, %sign3A_538 : i32
          %sign3A_540 = arith.constant 0 : i32
          %sign3A_541 = arith.cmpi sgt, %jit3A_531, %sign3A_540 : i32
          %sign3A_542 = arith.extui %sign3A_541 : i1 to i32
          %sign3A_543 = arith.constant 0 : i32
          %sign3A_544 = arith.cmpi slt, %jit3A_531, %sign3A_543 : i32
          %sign3A_545 = arith.extui %sign3A_544 : i1 to i32
          %sign3A_546 = arith.subi %sign3A_542, %sign3A_545 : i32
          %ne3A_547 = arith.cmpi ne, %sign3A_539, %sign3A_546 : i32
          %rem3A_548 = arith.remsi %sub3A_530, %jit3A_531 : i32
          %ne3A_549 = arith.constant 0 : i32
          %ne3A_550 = arith.cmpi ne, %rem3A_548, %ne3A_549 : i32
          %and3A_551 = arith.andi %ne3A_547, %ne3A_550 : i1
          %sub3A_552 = arith.constant 1 : i32
          %sub3A_553 = arith.subi %div3A_532, %sub3A_552 : i32
          %select_n3A_554 = arith.select %and3A_551, %sub3A_553, %div3A_532 : i32
          %mul3A_555 = arith.constant 32 : i32
          %mul3A_556 = arith.muli %select_n3A_554, %mul3A_555 : i32
          %sub3A_557 = arith.subi %sub3A_530, %mul3A_556 : i32
          %jit3A_558 = arith.constant 2 : i32
          %div3A_559 = arith.divsi %sub3A_557, %jit3A_558 : i32
          %sign3A_560 = arith.constant 0 : i32
          %sign3A_561 = arith.cmpi sgt, %sub3A_557, %sign3A_560 : i32
          %sign3A_562 = arith.extui %sign3A_561 : i1 to i32
          %sign3A_563 = arith.constant 0 : i32
          %sign3A_564 = arith.cmpi slt, %sub3A_557, %sign3A_563 : i32
          %sign3A_565 = arith.extui %sign3A_564 : i1 to i32
          %sign3A_566 = arith.subi %sign3A_562, %sign3A_565 : i32
          %sign3A_567 = arith.constant 0 : i32
          %sign3A_568 = arith.cmpi sgt, %jit3A_558, %sign3A_567 : i32
          %sign3A_569 = arith.extui %sign3A_568 : i1 to i32
          %sign3A_570 = arith.constant 0 : i32
          %sign3A_571 = arith.cmpi slt, %jit3A_558, %sign3A_570 : i32
          %sign3A_572 = arith.extui %sign3A_571 : i1 to i32
          %sign3A_573 = arith.subi %sign3A_569, %sign3A_572 : i32
          %ne3A_574 = arith.cmpi ne, %sign3A_566, %sign3A_573 : i32
          %rem3A_575 = arith.remsi %sub3A_557, %jit3A_558 : i32
          %ne3A_576 = arith.constant 0 : i32
          %ne3A_577 = arith.cmpi ne, %rem3A_575, %ne3A_576 : i32
          %and3A_578 = arith.andi %ne3A_574, %ne3A_577 : i1
          %sub3A_579 = arith.constant 1 : i32
          %sub3A_580 = arith.subi %div3A_559, %sub3A_579 : i32
          %select_n3A_581 = arith.select %and3A_578, %sub3A_580, %div3A_559 : i32
          %mul3A_582 = arith.constant 2 : i32
          %mul3A_583 = arith.muli %select_n3A_581, %mul3A_582 : i32
          %sub3A_584 = arith.subi %sub3A_557, %mul3A_583 : i32
          %mul3A_585 = arith.constant 32 : i32
          %mul3A_586 = arith.muli %select_n3A_554, %mul3A_585 : i32
          %mul3A_587 = arith.constant 16 : i32
          %mul3A_588 = arith.muli %sub3A_584, %mul3A_587 : i32
          %add3A_589 = arith.addi %mul3A_586, %mul3A_588 : i32
          %mul3A_590 = arith.constant 16 : i32
          %mul3A_591 = arith.muli %sub3A_584, %mul3A_590 : i32
          %add3A_592 = arith.addi %mul3A_2, %add3A_589 : i32
          %dma_wait3A_593 = arith.constant 0 : i32
          %dma_wait3A_594 = arith.constant 0 : i32
          %dma_wait3A_595 = tpu.memref_slice %arg7[%select_n3A_442, %dma_wait3A_593, %dma_wait3A_594] : memref<5x16x1024xf32, #tpu.memory_space<vmem>> -> memref<1x16x1024xf32, #tpu.memory_space<vmem>>
          %dma_wait3A_596 = tpu.memref_squeeze %dma_wait3A_595 : memref<1x16x1024xf32, #tpu.memory_space<vmem>> -> memref<16x1024xf32, #tpu.memory_space<vmem>>
          %dma_wait3A_597 = arith.constant 0 : i32
          %dma_wait3A_598 = tpu.memref_slice %arg5[%select_n3A_581, %add3A_592, %dma_wait3A_597] : memref<16x2048x1024xf32, #tpu.memory_space<hbm>> -> memref<1x16x1024xf32, #tpu.memory_space<hbm>>
          %dma_wait3A_599 = tpu.memref_squeeze %dma_wait3A_598 : memref<1x16x1024xf32, #tpu.memory_space<hbm>> -> memref<16x1024xf32, #tpu.memory_space<hbm>>
          %dma_wait3A_600 = tpu.memref_slice %arg10[%select_n3A_442] : memref<5x!tpu.dma_semaphore, #tpu.memory_space<semaphore_mem>> -> memref<1x!tpu.dma_semaphore, #tpu.memory_space<semaphore_mem>>
          %dma_wait3A_601 = tpu.memref_squeeze %dma_wait3A_600 : memref<1x!tpu.dma_semaphore, #tpu.memory_space<semaphore_mem>> -> memref<!tpu.dma_semaphore, #tpu.memory_space<semaphore_mem>>
          %dma_wait3A_602 = arith.constant 0 : i32
          %dma_wait3A_603 = tpu.memref_slice %arg5[%select_n3A_581, %add3A_592, %dma_wait3A_602] : memref<16x2048x1024xf32, #tpu.memory_space<hbm>> -> memref<1x16x1024xf32, #tpu.memory_space<hbm>>
          %dma_wait3A_604 = tpu.memref_squeeze %dma_wait3A_603 : memref<1x16x1024xf32, #tpu.memory_space<hbm>> -> memref<16x1024xf32, #tpu.memory_space<hbm>>
          %dma_wait3A_605 = arith.constant 0 : i32
          %dma_wait3A_606 = arith.constant 0 : i32
          %dma_wait3A_607 = tpu.memref_slice %arg7[%select_n3A_442, %dma_wait3A_605, %dma_wait3A_606] : memref<5x16x1024xf32, #tpu.memory_space<vmem>> -> memref<1x16x1024xf32, #tpu.memory_space<vmem>>
          %dma_wait3A_608 = tpu.memref_squeeze %dma_wait3A_607 : memref<1x16x1024xf32, #tpu.memory_space<vmem>> -> memref<16x1024xf32, #tpu.memory_space<vmem>>
          tpu.wait_dma2 semaphore(%dma_wait3A_601 : memref<!tpu.dma_semaphore, #tpu.memory_space<semaphore_mem>>) src(%dma_wait3A_608 : memref<16x1024xf32, #tpu.memory_space<vmem>>) dst(%dma_wait3A_604 : memref<16x1024xf32, #tpu.memory_space<hbm>>)
        } else {
        }
        %add3A_449 = arith.constant 3 : i32
        %add3A_450 = arith.addi %scan3A_175, %add3A_449 : i32
        %jit3A_451 = arith.constant 32 : i32
        %div3A_452 = arith.divsi %add3A_450, %jit3A_451 : i32
        %sign3A_453 = arith.constant 0 : i32
        %sign3A_454 = arith.cmpi sgt, %add3A_450, %sign3A_453 : i32
        %sign3A_455 = arith.extui %sign3A_454 : i1 to i32
        %sign3A_456 = arith.constant 0 : i32
        %sign3A_457 = arith.cmpi slt, %add3A_450, %sign3A_456 : i32
        %sign3A_458 = arith.extui %sign3A_457 : i1 to i32
        %sign3A_459 = arith.subi %sign3A_455, %sign3A_458 : i32
        %sign3A_460 = arith.constant 0 : i32
        %sign3A_461 = arith.cmpi sgt, %jit3A_451, %sign3A_460 : i32
        %sign3A_462 = arith.extui %sign3A_461 : i1 to i32
        %sign3A_463 = arith.constant 0 : i32
        %sign3A_464 = arith.cmpi slt, %jit3A_451, %sign3A_463 : i32
        %sign3A_465 = arith.extui %sign3A_464 : i1 to i32
        %sign3A_466 = arith.subi %sign3A_462, %sign3A_465 : i32
        %ne3A_467 = arith.cmpi ne, %sign3A_459, %sign3A_466 : i32
        %rem3A_468 = arith.remsi %add3A_450, %jit3A_451 : i32
        %ne3A_469 = arith.constant 0 : i32
        %ne3A_470 = arith.cmpi ne, %rem3A_468, %ne3A_469 : i32
        %and3A_471 = arith.andi %ne3A_467, %ne3A_470 : i1
        %sub3A_472 = arith.constant 1 : i32
        %sub3A_473 = arith.subi %div3A_452, %sub3A_472 : i32
        %select_n3A_474 = arith.select %and3A_471, %sub3A_473, %div3A_452 : i32
        %mul3A_475 = arith.constant 32 : i32
        %mul3A_476 = arith.muli %select_n3A_474, %mul3A_475 : i32
        %sub3A_477 = arith.subi %add3A_450, %mul3A_476 : i32
        %jit3A_478 = arith.constant 2 : i32
        %div3A_479 = arith.divsi %sub3A_477, %jit3A_478 : i32
        %sign3A_480 = arith.constant 0 : i32
        %sign3A_481 = arith.cmpi sgt, %sub3A_477, %sign3A_480 : i32
        %sign3A_482 = arith.extui %sign3A_481 : i1 to i32
        %sign3A_483 = arith.constant 0 : i32
        %sign3A_484 = arith.cmpi slt, %sub3A_477, %sign3A_483 : i32
        %sign3A_485 = arith.extui %sign3A_484 : i1 to i32
        %sign3A_486 = arith.subi %sign3A_482, %sign3A_485 : i32
        %sign3A_487 = arith.constant 0 : i32
        %sign3A_488 = arith.cmpi sgt, %jit3A_478, %sign3A_487 : i32
        %sign3A_489 = arith.extui %sign3A_488 : i1 to i32
        %sign3A_490 = arith.constant 0 : i32
        %sign3A_491 = arith.cmpi slt, %jit3A_478, %sign3A_490 : i32
        %sign3A_492 = arith.extui %sign3A_491 : i1 to i32
        %sign3A_493 = arith.subi %sign3A_489, %sign3A_492 : i32
        %ne3A_494 = arith.cmpi ne, %sign3A_486, %sign3A_493 : i32
        %rem3A_495 = arith.remsi %sub3A_477, %jit3A_478 : i32
        %ne3A_496 = arith.constant 0 : i32
        %ne3A_497 = arith.cmpi ne, %rem3A_495, %ne3A_496 : i32
        %and3A_498 = arith.andi %ne3A_494, %ne3A_497 : i1
        %sub3A_499 = arith.constant 1 : i32
        %sub3A_500 = arith.subi %div3A_479, %sub3A_499 : i32
        %select_n3A_501 = arith.select %and3A_498, %sub3A_500, %div3A_479 : i32
        %mul3A_502 = arith.constant 2 : i32
        %mul3A_503 = arith.muli %select_n3A_501, %mul3A_502 : i32
        %sub3A_504 = arith.subi %sub3A_477, %mul3A_503 : i32
        %mul3A_505 = arith.constant 32 : i32
        %mul3A_506 = arith.muli %select_n3A_474, %mul3A_505 : i32
        %mul3A_507 = arith.constant 16 : i32
        %mul3A_508 = arith.muli %sub3A_504, %mul3A_507 : i32
        %add3A_509 = arith.addi %mul3A_506, %mul3A_508 : i32
        %mul3A_510 = arith.constant 16 : i32
        %mul3A_511 = arith.muli %sub3A_504, %mul3A_510 : i32
        %add3A_512 = arith.addi %mul3A_2, %add3A_509 : i32
        %dma_start3A_513 = arith.constant 0 : i32
        %dma_start3A_514 = arith.constant 0 : i32
        %dma_start3A_515 = tpu.memref_slice %arg7[%select_n3A_442, %dma_start3A_513, %dma_start3A_514] : memref<5x16x1024xf32, #tpu.memory_space<vmem>> -> memref<1x16x1024xf32, #tpu.memory_space<vmem>>
        %dma_start3A_516 = tpu.memref_squeeze %dma_start3A_515 : memref<1x16x1024xf32, #tpu.memory_space<vmem>> -> memref<16x1024xf32, #tpu.memory_space<vmem>>
        %dma_start3A_517 = arith.constant 0 : i32
        %dma_start3A_518 = tpu.memref_slice %arg3[%select_n3A_501, %add3A_512, %dma_start3A_517] : memref<16x2048x1024xf32, #tpu.memory_space<hbm>> -> memref<1x16x1024xf32, #tpu.memory_space<hbm>>
        %dma_start3A_519 = tpu.memref_squeeze %dma_start3A_518 : memref<1x16x1024xf32, #tpu.memory_space<hbm>> -> memref<16x1024xf32, #tpu.memory_space<hbm>>
        %dma_start3A_520 = tpu.memref_slice %arg9[%select_n3A_442] : memref<5x!tpu.dma_semaphore, #tpu.memory_space<semaphore_mem>> -> memref<1x!tpu.dma_semaphore, #tpu.memory_space<semaphore_mem>>
        %dma_start3A_521 = tpu.memref_squeeze %dma_start3A_520 : memref<1x!tpu.dma_semaphore, #tpu.memory_space<semaphore_mem>> -> memref<!tpu.dma_semaphore, #tpu.memory_space<semaphore_mem>>
        %dma_start3A_522 = arith.constant 0 : i32
        %dma_start3A_523 = arith.constant 0 : i32
        %dma_start3A_524 = tpu.memref_slice %arg7[%select_n3A_442, %dma_start3A_522, %dma_start3A_523] : memref<5x16x1024xf32, #tpu.memory_space<vmem>> -> memref<1x16x1024xf32, #tpu.memory_space<vmem>>
        %dma_start3A_525 = tpu.memref_squeeze %dma_start3A_524 : memref<1x16x1024xf32, #tpu.memory_space<vmem>> -> memref<16x1024xf32, #tpu.memory_space<vmem>>
        %dma_start3A_526 = arith.constant 0 : i32
        %dma_start3A_527 = tpu.memref_slice %arg3[%select_n3A_501, %add3A_512, %dma_start3A_526] : memref<16x2048x1024xf32, #tpu.memory_space<hbm>> -> memref<1x16x1024xf32, #tpu.memory_space<hbm>>
        %dma_start3A_528 = tpu.memref_squeeze %dma_start3A_527 : memref<1x16x1024xf32, #tpu.memory_space<hbm>> -> memref<16x1024xf32, #tpu.memory_space<hbm>>
        tpu.enqueue_dma source(%dma_start3A_528 : memref<16x1024xf32, #tpu.memory_space<hbm>>) target(%dma_start3A_525 : memref<16x1024xf32, #tpu.memory_space<vmem>>) target_semaphore(%dma_start3A_521 : memref<!tpu.dma_semaphore, #tpu.memory_space<semaphore_mem>>)
      } else {
      }
      %eq3A_191 = arith.constant 32 : i32
      %eq3A_192 = arith.cmpi eq, %scan3A_175, %eq3A_191 : i32
      %convert_element_type3A_193 = arith.extui %eq3A_192 : i1 to i32
      %cond3A_194 = arith.constant 0 : i32
      %cond3A_195 = arith.cmpi ne, %convert_element_type3A_193, %cond3A_194 : i32
      scf.if %cond3A_195 {
        %add3A_425 = arith.constant 32 : i32
        %add3A_426 = arith.addi %mul3A_2, %add3A_425 : i32
        "tpu.region"() ({
          %run_scoped3A = tpu.sem_alloc : memref<!tpu.dma_semaphore, #tpu.memory_space<semaphore_mem>>
          %dma_start3A_427 = arith.constant 0 : i32
          %dma_start3A_428 = tpu.memref_slice %arg4[%add3A_426, %dma_start3A_427] : memref<2048x1024xf32, #tpu.memory_space<hbm>> -> memref<32x1024xf32, #tpu.memory_space<hbm>>
          %dma_start3A_429 = arith.constant 0 : i32
          %dma_start3A_430 = tpu.memref_slice %arg4[%add3A_426, %dma_start3A_429] : memref<2048x1024xf32, #tpu.memory_space<hbm>> -> memref<32x1024xf32, #tpu.memory_space<hbm>>
          tpu.enqueue_dma source(%dma_start3A_430 : memref<32x1024xf32, #tpu.memory_space<hbm>>) target(%arg6 : memref<32x1024xf32, #tpu.memory_space<vmem>>) target_semaphore(%run_scoped3A : memref<!tpu.dma_semaphore, #tpu.memory_space<semaphore_mem>>)
          %dma_wait3A_431 = arith.constant 0 : i32
          %dma_wait3A_432 = tpu.memref_slice %arg4[%add3A_426, %dma_wait3A_431] : memref<2048x1024xf32, #tpu.memory_space<hbm>> -> memref<32x1024xf32, #tpu.memory_space<hbm>>
          %dma_wait3A_433 = arith.constant 0 : i32
          %dma_wait3A_434 = tpu.memref_slice %arg4[%add3A_426, %dma_wait3A_433] : memref<2048x1024xf32, #tpu.memory_space<hbm>> -> memref<32x1024xf32, #tpu.memory_space<hbm>>
          tpu.wait_dma2 semaphore(%run_scoped3A : memref<!tpu.dma_semaphore, #tpu.memory_space<semaphore_mem>>) src(%dma_wait3A_434 : memref<32x1024xf32, #tpu.memory_space<hbm>>) dst(%arg6 : memref<32x1024xf32, #tpu.memory_space<vmem>>)
          tpu.yield
        }) : () -> ()
      } else {
      }
      %jit3A_196 = arith.constant 32 : i32
      %div3A = arith.divsi %scan3A_175, %jit3A_196 : i32
      %sign3A = arith.constant 0 : i32
      %sign3A_197 = arith.cmpi sgt, %scan3A_175, %sign3A : i32
      %sign3A_198 = arith.extui %sign3A_197 : i1 to i32
      %sign3A_199 = arith.constant 0 : i32
      %sign3A_200 = arith.cmpi slt, %scan3A_175, %sign3A_199 : i32
      %sign3A_201 = arith.extui %sign3A_200 : i1 to i32
      %sign3A_202 = arith.subi %sign3A_198, %sign3A_201 : i32
      %sign3A_203 = arith.constant 0 : i32
      %sign3A_204 = arith.cmpi sgt, %jit3A_196, %sign3A_203 : i32
      %sign3A_205 = arith.extui %sign3A_204 : i1 to i32
      %sign3A_206 = arith.constant 0 : i32
      %sign3A_207 = arith.cmpi slt, %jit3A_196, %sign3A_206 : i32
      %sign3A_208 = arith.extui %sign3A_207 : i1 to i32
      %sign3A_209 = arith.subi %sign3A_205, %sign3A_208 : i32
      %ne3A_210 = arith.cmpi ne, %sign3A_202, %sign3A_209 : i32
      %rem3A_211 = arith.remsi %scan3A_175, %jit3A_196 : i32
      %ne3A_212 = arith.constant 0 : i32
      %ne3A_213 = arith.cmpi ne, %rem3A_211, %ne3A_212 : i32
      %and3A_214 = arith.andi %ne3A_210, %ne3A_213 : i1
      %sub3A = arith.constant 1 : i32
      %sub3A_215 = arith.subi %div3A, %sub3A : i32
      %select_n3A_216 = arith.select %and3A_214, %sub3A_215, %div3A : i32
      %mul3A_217 = arith.constant 32 : i32
      %mul3A_218 = arith.muli %select_n3A_216, %mul3A_217 : i32
      %sub3A_219 = arith.subi %scan3A_175, %mul3A_218 : i32
      %jit3A_220 = arith.constant 2 : i32
      %div3A_221 = arith.divsi %sub3A_219, %jit3A_220 : i32
      %sign3A_222 = arith.constant 0 : i32
      %sign3A_223 = arith.cmpi sgt, %sub3A_219, %sign3A_222 : i32
      %sign3A_224 = arith.extui %sign3A_223 : i1 to i32
      %sign3A_225 = arith.constant 0 : i32
      %sign3A_226 = arith.cmpi slt, %sub3A_219, %sign3A_225 : i32
      %sign3A_227 = arith.extui %sign3A_226 : i1 to i32
      %sign3A_228 = arith.subi %sign3A_224, %sign3A_227 : i32
      %sign3A_229 = arith.constant 0 : i32
      %sign3A_230 = arith.cmpi sgt, %jit3A_220, %sign3A_229 : i32
      %sign3A_231 = arith.extui %sign3A_230 : i1 to i32
      %sign3A_232 = arith.constant 0 : i32
      %sign3A_233 = arith.cmpi slt, %jit3A_220, %sign3A_232 : i32
      %sign3A_234 = arith.extui %sign3A_233 : i1 to i32
      %sign3A_235 = arith.subi %sign3A_231, %sign3A_234 : i32
      %ne3A_236 = arith.cmpi ne, %sign3A_228, %sign3A_235 : i32
      %rem3A_237 = arith.remsi %sub3A_219, %jit3A_220 : i32
      %ne3A_238 = arith.constant 0 : i32
      %ne3A_239 = arith.cmpi ne, %rem3A_237, %ne3A_238 : i32
      %and3A_240 = arith.andi %ne3A_236, %ne3A_239 : i1
      %sub3A_241 = arith.constant 1 : i32
      %sub3A_242 = arith.subi %div3A_221, %sub3A_241 : i32
      %select_n3A_243 = arith.select %and3A_240, %sub3A_242, %div3A_221 : i32
      %mul3A_244 = arith.constant 2 : i32
      %mul3A_245 = arith.muli %select_n3A_243, %mul3A_244 : i32
      %sub3A_246 = arith.subi %sub3A_219, %mul3A_245 : i32
      %mul3A_247 = arith.constant 32 : i32
      %mul3A_248 = arith.muli %select_n3A_216, %mul3A_247 : i32
      %mul3A_249 = arith.constant 16 : i32
      %mul3A_250 = arith.muli %sub3A_246, %mul3A_249 : i32
      %add3A_251 = arith.addi %mul3A_248, %mul3A_250 : i32
      %mul3A_252 = arith.constant 16 : i32
      %mul3A_253 = arith.muli %sub3A_246, %mul3A_252 : i32
      %get3A = arith.index_cast %select_n3A_243 : i32 to index
      %get3A_254 = arith.constant 0 : index
      %get3A_255 = tpu.vector_load %arg8[%get3A, %get3A_254] {strides = array<i32>} : memref<16x16xi32, #tpu.memory_space<vmem>>, vector<1x16xi32>,
      %get3A_256 = vector.shape_cast %get3A_255 : vector<1x16xi32> to vector<16xi32>
      %slice3A = vector.extract_strided_slice %get3A_256 {offsets = [0], sizes = [1], strides = [1]} : vector<16xi32> to vector<1xi32>
      %squeeze3A = vector.extract %slice3A[0] : i32 from vector<1xi32>
      %add3A_257 = arith.addi %mul3A_2, %add3A_251 : i32
      %sub3A_258 = arith.subi %squeeze3A, %add3A_257 : i32
      %jit3A_259 = arith.constant 0 : i32
      %jit3A_260 = arith.constant 16 : i32
      %max3A = arith.maxsi %jit3A_259, %sub3A_258 : i32
      %min3A = arith.minsi %jit3A_260, %max3A : i32
      %mul3A_261 = arith.constant 0 : i32
      %mul3A_262 = arith.muli %min3A, %mul3A_261 : i32
      %add3A_263 = arith.constant 16 : i32
      %add3A_264 = arith.addi %mul3A_262, %add3A_263 : i32
      %jit3A_265 = arith.constant 32 : i32
      %div3A_266 = arith.divsi %scan3A_175, %jit3A_265 : i32
      %sign3A_267 = arith.constant 0 : i32
      %sign3A_268 = arith.cmpi sgt, %scan3A_175, %sign3A_267 : i32
      %sign3A_269 = arith.extui %sign3A_268 : i1 to i32
      %sign3A_270 = arith.constant 0 : i32
      %sign3A_271 = arith.cmpi slt, %scan3A_175, %sign3A_270 : i32
      %sign3A_272 = arith.extui %sign3A_271 : i1 to i32
      %sign3A_273 = arith.subi %sign3A_269, %sign3A_272 : i32
      %sign3A_274 = arith.constant 0 : i32
      %sign3A_275 = arith.cmpi sgt, %jit3A_265, %sign3A_274 : i32
      %sign3A_276 = arith.extui %sign3A_275 : i1 to i32
      %sign3A_277 = arith.constant 0 : i32
      %sign3A_278 = arith.cmpi slt, %jit3A_265, %sign3A_277 : i32
      %sign3A_279 = arith.extui %sign3A_278 : i1 to i32
      %sign3A_280 = arith.subi %sign3A_276, %sign3A_279 : i32
      %ne3A_281 = arith.cmpi ne, %sign3A_273, %sign3A_280 : i32
      %rem3A_282 = arith.remsi %scan3A_175, %jit3A_265 : i32
      %ne3A_283 = arith.constant 0 : i32
      %ne3A_284 = arith.cmpi ne, %rem3A_282, %ne3A_283 : i32
      %and3A_285 = arith.andi %ne3A_281, %ne3A_284 : i1
      %sub3A_286 = arith.constant 1 : i32
      %sub3A_287 = arith.subi %div3A_266, %sub3A_286 : i32
      %select_n3A_288 = arith.select %and3A_285, %sub3A_287, %div3A_266 : i32
      %mul3A_289 = arith.constant 32 : i32
      %mul3A_290 = arith.muli %select_n3A_288, %mul3A_289 : i32
      %sub3A_291 = arith.subi %scan3A_175, %mul3A_290 : i32
      %jit3A_292 = arith.constant 2 : i32
      %div3A_293 = arith.divsi %sub3A_291, %jit3A_292 : i32
      %sign3A_294 = arith.constant 0 : i32
      %sign3A_295 = arith.cmpi sgt, %sub3A_291, %sign3A_294 : i32
      %sign3A_296 = arith.extui %sign3A_295 : i1 to i32
      %sign3A_297 = arith.constant 0 : i32
      %sign3A_298 = arith.cmpi slt, %sub3A_291, %sign3A_297 : i32
      %sign3A_299 = arith.extui %sign3A_298 : i1 to i32
      %sign3A_300 = arith.subi %sign3A_296, %sign3A_299 : i32
      %sign3A_301 = arith.constant 0 : i32
      %sign3A_302 = arith.cmpi sgt, %jit3A_292, %sign3A_301 : i32
      %sign3A_303 = arith.extui %sign3A_302 : i1 to i32
      %sign3A_304 = arith.constant 0 : i32
      %sign3A_305 = arith.cmpi slt, %jit3A_292, %sign3A_304 : i32
      %sign3A_306 = arith.extui %sign3A_305 : i1 to i32
      %sign3A_307 = arith.subi %sign3A_303, %sign3A_306 : i32
      %ne3A_308 = arith.cmpi ne, %sign3A_300, %sign3A_307 : i32
      %rem3A_309 = arith.remsi %sub3A_291, %jit3A_292 : i32
      %ne3A_310 = arith.constant 0 : i32
      %ne3A_311 = arith.cmpi ne, %rem3A_309, %ne3A_310 : i32
      %and3A_312 = arith.andi %ne3A_308, %ne3A_311 : i1
      %sub3A_313 = arith.constant 1 : i32
      %sub3A_314 = arith.subi %div3A_293, %sub3A_313 : i32
      %select_n3A_315 = arith.select %and3A_312, %sub3A_314, %div3A_293 : i32
      %mul3A_316 = arith.constant 2 : i32
      %mul3A_317 = arith.muli %select_n3A_315, %mul3A_316 : i32
      %sub3A_318 = arith.subi %sub3A_291, %mul3A_317 : i32
      %mul3A_319 = arith.constant 32 : i32
      %mul3A_320 = arith.muli %select_n3A_288, %mul3A_319 : i32
      %mul3A_321 = arith.constant 16 : i32
      %mul3A_322 = arith.muli %sub3A_318, %mul3A_321 : i32
      %add3A_323 = arith.addi %mul3A_320, %mul3A_322 : i32
      %mul3A_324 = arith.constant 16 : i32
      %mul3A_325 = arith.muli %sub3A_318, %mul3A_324 : i32
      %add3A_326 = arith.addi %mul3A_2, %add3A_323 : i32
      %dma_wait3A_327 = arith.constant 0 : i32
      %dma_wait3A_328 = arith.constant 0 : i32
      %dma_wait3A_329 = tpu.memref_slice %arg7[%select_n3A_185, %dma_wait3A_327, %dma_wait3A_328] : memref<5x16x1024xf32, #tpu.memory_space<vmem>> -> memref<1x16x1024xf32, #tpu.memory_space<vmem>>
      %dma_wait3A_330 = tpu.memref_squeeze %dma_wait3A_329 : memref<1x16x1024xf32, #tpu.memory_space<vmem>> -> memref<16x1024xf32, #tpu.memory_space<vmem>>
      %dma_wait3A_331 = arith.constant 0 : i32
      %dma_wait3A_332 = tpu.memref_slice %arg3[%select_n3A_315, %add3A_326, %dma_wait3A_331] : memref<16x2048x1024xf32, #tpu.memory_space<hbm>> -> memref<1x16x1024xf32, #tpu.memory_space<hbm>>
      %dma_wait3A_333 = tpu.memref_squeeze %dma_wait3A_332 : memref<1x16x1024xf32, #tpu.memory_space<hbm>> -> memref<16x1024xf32, #tpu.memory_space<hbm>>
      %dma_wait3A_334 = tpu.memref_slice %arg9[%select_n3A_185] : memref<5x!tpu.dma_semaphore, #tpu.memory_space<semaphore_mem>> -> memref<1x!tpu.dma_semaphore, #tpu.memory_space<semaphore_mem>>
      %dma_wait3A_335 = tpu.memref_squeeze %dma_wait3A_334 : memref<1x!tpu.dma_semaphore, #tpu.memory_space<semaphore_mem>> -> memref<!tpu.dma_semaphore, #tpu.memory_space<semaphore_mem>>
      %dma_wait3A_336 = arith.constant 0 : i32
      %dma_wait3A_337 = arith.constant 0 : i32
      %dma_wait3A_338 = tpu.memref_slice %arg7[%select_n3A_185, %dma_wait3A_336, %dma_wait3A_337] : memref<5x16x1024xf32, #tpu.memory_space<vmem>> -> memref<1x16x1024xf32, #tpu.memory_space<vmem>>
      %dma_wait3A_339 = tpu.memref_squeeze %dma_wait3A_338 : memref<1x16x1024xf32, #tpu.memory_space<vmem>> -> memref<16x1024xf32, #tpu.memory_space<vmem>>
      %dma_wait3A_340 = arith.constant 0 : i32
      %dma_wait3A_341 = tpu.memref_slice %arg3[%select_n3A_315, %add3A_326, %dma_wait3A_340] : memref<16x2048x1024xf32, #tpu.memory_space<hbm>> -> memref<1x16x1024xf32, #tpu.memory_space<hbm>>
      %dma_wait3A_342 = tpu.memref_squeeze %dma_wait3A_341 : memref<1x16x1024xf32, #tpu.memory_space<hbm>> -> memref<16x1024xf32, #tpu.memory_space<hbm>>
      tpu.wait_dma2 semaphore(%dma_wait3A_335 : memref<!tpu.dma_semaphore, #tpu.memory_space<semaphore_mem>>) src(%dma_wait3A_342 : memref<16x1024xf32, #tpu.memory_space<hbm>>) dst(%dma_wait3A_339 : memref<16x1024xf32, #tpu.memory_space<vmem>>)
      %mul3A_343 = arith.constant 64 : i32
      %mul3A_344 = arith.muli %add3A_264, %mul3A_343 : i32
      %parallel_loop3A = arith.constant 0 : i32
      %parallel_loop3A_345 = arith.constant 1 : i32
      scf.for %parallel_loop3A_425 = %parallel_loop3A to %mul3A_344 step %parallel_loop3A_345  : i32 {
        %parallel_loop3A_426 = arith.constant 6 : i32
        %parallel_loop3A_427 = arith.shrui %parallel_loop3A_425, %parallel_loop3A_426 : i32
        %parallel_loop3A_428 = arith.constant 63 : i32
        %parallel_loop3A_429 = arith.andi %parallel_loop3A_425, %parallel_loop3A_428 : i32
        %parallel_loop3A_430 = arith.constant 16 : i32
        %parallel_loop3A_431 = arith.muli %parallel_loop3A_429, %parallel_loop3A_430 : i32
        %parallel_loop3A_432 = arith.index_cast %select_n3A_185 : i32 to index
        %parallel_loop3A_433 = arith.index_cast %parallel_loop3A_427 : i32 to index
        %parallel_loop3A_434 = arith.index_cast %parallel_loop3A_431 : i32 to index
        %parallel_loop3A_435 = tpu.vector_load %arg7[%parallel_loop3A_432, %parallel_loop3A_433, %parallel_loop3A_434] {strides = array<i32>} : memref<5x16x1024xf32, #tpu.memory_space<vmem>>, vector<1x1x16xf32>,
        %parallel_loop3A_436 = vector.shape_cast %parallel_loop3A_435 : vector<1x1x16xf32> to vector<16xf32>
        %parallel_loop3A_437 = arith.addi %mul3A_253, %parallel_loop3A_427 : i32
        %parallel_loop3A_438 = arith.index_cast %parallel_loop3A_437 : i32 to index
        %parallel_loop3A_439 = arith.index_cast %parallel_loop3A_431 : i32 to index
        %parallel_loop3A_440 = tpu.vector_load %arg6[%parallel_loop3A_438, %parallel_loop3A_439] {strides = array<i32>} : memref<32x1024xf32, #tpu.memory_space<vmem>>, vector<1x16xf32>,
        %parallel_loop3A_441 = vector.shape_cast %parallel_loop3A_440 : vector<1x16xf32> to vector<16xf32>
        %parallel_loop3A_442 = arith.addf %parallel_loop3A_436, %parallel_loop3A_441 : vector<16xf32>
        %parallel_loop3A_443 = arith.index_cast %select_n3A_185 : i32 to index
        %parallel_loop3A_444 = arith.index_cast %parallel_loop3A_427 : i32 to index
        %parallel_loop3A_445 = arith.index_cast %parallel_loop3A_431 : i32 to index
        %parallel_loop3A_446 = tpu.vector_load %arg7[%parallel_loop3A_443, %parallel_loop3A_444, %parallel_loop3A_445] {strides = array<i32>} : memref<5x16x1024xf32, #tpu.memory_space<vmem>>, vector<1x1x16xf32>,
        %parallel_loop3A_447 = vector.shape_cast %parallel_loop3A_446 : vector<1x1x16xf32> to vector<16xf32>
        %parallel_loop3A_448 = vector.shape_cast %parallel_loop3A_442 : vector<16xf32> to vector<1x1x16xf32>
        tpu.vector_store %arg7[%parallel_loop3A_443, %parallel_loop3A_444, %parallel_loop3A_445], %parallel_loop3A_448 {strides = array<i32>} : memref<5x16x1024xf32, #tpu.memory_space<vmem>>, vector<1x1x16xf32>,
      } {sc.loop_unroll_factor = 16 : i64, sc.parallel_access}
      %jit3A_346 = arith.constant 32 : i32
      %div3A_347 = arith.divsi %scan3A_175, %jit3A_346 : i32
      %sign3A_348 = arith.constant 0 : i32
      %sign3A_349 = arith.cmpi sgt, %scan3A_175, %sign3A_348 : i32
      %sign3A_350 = arith.extui %sign3A_349 : i1 to i32
      %sign3A_351 = arith.constant 0 : i32
      %sign3A_352 = arith.cmpi slt, %scan3A_175, %sign3A_351 : i32
      %sign3A_353 = arith.extui %sign3A_352 : i1 to i32
      %sign3A_354 = arith.subi %sign3A_350, %sign3A_353 : i32
      %sign3A_355 = arith.constant 0 : i32
      %sign3A_356 = arith.cmpi sgt, %jit3A_346, %sign3A_355 : i32
      %sign3A_357 = arith.extui %sign3A_356 : i1 to i32
      %sign3A_358 = arith.constant 0 : i32
      %sign3A_359 = arith.cmpi slt, %jit3A_346, %sign3A_358 : i32
      %sign3A_360 = arith.extui %sign3A_359 : i1 to i32
      %sign3A_361 = arith.subi %sign3A_357, %sign3A_360 : i32
      %ne3A_362 = arith.cmpi ne, %sign3A_354, %sign3A_361 : i32
      %rem3A_363 = arith.remsi %scan3A_175, %jit3A_346 : i32
      %ne3A_364 = arith.constant 0 : i32
      %ne3A_365 = arith.cmpi ne, %rem3A_363, %ne3A_364 : i32
      %and3A_366 = arith.andi %ne3A_362, %ne3A_365 : i1
      %sub3A_367 = arith.constant 1 : i32
      %sub3A_368 = arith.subi %div3A_347, %sub3A_367 : i32
      %select_n3A_369 = arith.select %and3A_366, %sub3A_368, %div3A_347 : i32
      %mul3A_370 = arith.constant 32 : i32
      %mul3A_371 = arith.muli %select_n3A_369, %mul3A_370 : i32
      %sub3A_372 = arith.subi %scan3A_175, %mul3A_371 : i32
      %jit3A_373 = arith.constant 2 : i32
      %div3A_374 = arith.divsi %sub3A_372, %jit3A_373 : i32
      %sign3A_375 = arith.constant 0 : i32
      %sign3A_376 = arith.cmpi sgt, %sub3A_372, %sign3A_375 : i32
      %sign3A_377 = arith.extui %sign3A_376 : i1 to i32
      %sign3A_378 = arith.constant 0 : i32
      %sign3A_379 = arith.cmpi slt, %sub3A_372, %sign3A_378 : i32
      %sign3A_380 = arith.extui %sign3A_379 : i1 to i32
      %sign3A_381 = arith.subi %sign3A_377, %sign3A_380 : i32
      %sign3A_382 = arith.constant 0 : i32
      %sign3A_383 = arith.cmpi sgt, %jit3A_373, %sign3A_382 : i32
      %sign3A_384 = arith.extui %sign3A_383 : i1 to i32
      %sign3A_385 = arith.constant 0 : i32
      %sign3A_386 = arith.cmpi slt, %jit3A_373, %sign3A_385 : i32
      %sign3A_387 = arith.extui %sign3A_386 : i1 to i32
      %sign3A_388 = arith.subi %sign3A_384, %sign3A_387 : i32
      %ne3A_389 = arith.cmpi ne, %sign3A_381, %sign3A_388 : i32
      %rem3A_390 = arith.remsi %sub3A_372, %jit3A_373 : i32
      %ne3A_391 = arith.constant 0 : i32
      %ne3A_392 = arith.cmpi ne, %rem3A_390, %ne3A_391 : i32
      %and3A_393 = arith.andi %ne3A_389, %ne3A_392 : i1
      %sub3A_394 = arith.constant 1 : i32
      %sub3A_395 = arith.subi %div3A_374, %sub3A_394 : i32
      %select_n3A_396 = arith.select %and3A_393, %sub3A_395, %div3A_374 : i32
      %mul3A_397 = arith.constant 2 : i32
      %mul3A_398 = arith.muli %select_n3A_396, %mul3A_397 : i32
      %sub3A_399 = arith.subi %sub3A_372, %mul3A_398 : i32
      %mul3A_400 = arith.constant 32 : i32
      %mul3A_401 = arith.muli %select_n3A_369, %mul3A_400 : i32
      %mul3A_402 = arith.constant 16 : i32
      %mul3A_403 = arith.muli %sub3A_399, %mul3A_402 : i32
      %add3A_404 = arith.addi %mul3A_401, %mul3A_403 : i32
      %mul3A_405 = arith.constant 16 : i32
      %mul3A_406 = arith.muli %sub3A_399, %mul3A_405 : i32
      %add3A_407 = arith.addi %mul3A_2, %add3A_404 : i32
      %dma_start3A_408 = arith.constant 0 : i32
      %dma_start3A_409 = arith.constant 0 : i32
      %dma_start3A_410 = tpu.memref_slice %arg7[%select_n3A_185, %dma_start3A_408, %dma_start3A_409] : memref<5x16x1024xf32, #tpu.memory_space<vmem>> -> memref<1x16x1024xf32, #tpu.memory_space<vmem>>
      %dma_start3A_411 = tpu.memref_squeeze %dma_start3A_410 : memref<1x16x1024xf32, #tpu.memory_space<vmem>> -> memref<16x1024xf32, #tpu.memory_space<vmem>>
      %dma_start3A_412 = arith.constant 0 : i32
      %dma_start3A_413 = tpu.memref_slice %arg5[%select_n3A_396, %add3A_407, %dma_start3A_412] : memref<16x2048x1024xf32, #tpu.memory_space<hbm>> -> memref<1x16x1024xf32, #tpu.memory_space<hbm>>
      %dma_start3A_414 = tpu.memref_squeeze %dma_start3A_413 : memref<1x16x1024xf32, #tpu.memory_space<hbm>> -> memref<16x1024xf32, #tpu.memory_space<hbm>>
      %dma_start3A_415 = tpu.memref_slice %arg10[%select_n3A_185] : memref<5x!tpu.dma_semaphore, #tpu.memory_space<semaphore_mem>> -> memref<1x!tpu.dma_semaphore, #tpu.memory_space<semaphore_mem>>
      %dma_start3A_416 = tpu.memref_squeeze %dma_start3A_415 : memref<1x!tpu.dma_semaphore, #tpu.memory_space<semaphore_mem>> -> memref<!tpu.dma_semaphore, #tpu.memory_space<semaphore_mem>>
      %dma_start3A_417 = arith.constant 0 : i32
      %dma_start3A_418 = tpu.memref_slice %arg5[%select_n3A_396, %add3A_407, %dma_start3A_417] : memref<16x2048x1024xf32, #tpu.memory_space<hbm>> -> memref<1x16x1024xf32, #tpu.memory_space<hbm>>
      %dma_start3A_419 = tpu.memref_squeeze %dma_start3A_418 : memref<1x16x1024xf32, #tpu.memory_space<hbm>> -> memref<16x1024xf32, #tpu.memory_space<hbm>>
      %dma_start3A_420 = arith.constant 0 : i32
      %dma_start3A_421 = arith.constant 0 : i32
      %dma_start3A_422 = tpu.memref_slice %arg7[%select_n3A_185, %dma_start3A_420, %dma_start3A_421] : memref<5x16x1024xf32, #tpu.memory_space<vmem>> -> memref<1x16x1024xf32, #tpu.memory_space<vmem>>
      %dma_start3A_423 = tpu.memref_squeeze %dma_start3A_422 : memref<1x16x1024xf32, #tpu.memory_space<vmem>> -> memref<16x1024xf32, #tpu.memory_space<vmem>>
      tpu.enqueue_dma source(%dma_start3A_423 : memref<16x1024xf32, #tpu.memory_space<vmem>>) target(%dma_start3A_419 : memref<16x1024xf32, #tpu.memory_space<hbm>>) target_semaphore(%dma_start3A_416 : memref<!tpu.dma_semaphore, #tpu.memory_space<semaphore_mem>>)
      %scan3A_424 = arith.constant 0 : i32
      scf.yield %scan3A_424 : i32
    }
    %scan3A_70 = arith.constant 64 : i32
    %add3A_71 = arith.constant 48 : i32
    %add3A_72 = arith.addi %mul3A_2, %add3A_71 : i32
    %dma_wait3A = arith.constant 4 : i32
    %dma_wait3A_73 = arith.constant 13 : i32
    %dma_wait3A_74 = arith.constant 4 : i32
    %dma_wait3A_75 = arith.constant 0 : i32
    %dma_wait3A_76 = arith.constant 0 : i32
    %dma_wait3A_77 = tpu.memref_slice %arg7[%dma_wait3A, %dma_wait3A_75, %dma_wait3A_76] : memref<5x16x1024xf32, #tpu.memory_space<vmem>> -> memref<1x16x1024xf32, #tpu.memory_space<vmem>>
    %dma_wait3A_78 = tpu.memref_squeeze %dma_wait3A_77 : memref<1x16x1024xf32, #tpu.memory_space<vmem>> -> memref<16x1024xf32, #tpu.memory_space<vmem>>
    %dma_wait3A_79 = arith.constant 0 : i32
    %dma_wait3A_80 = tpu.memref_slice %arg5[%dma_wait3A_73, %add3A_72, %dma_wait3A_79] : memref<16x2048x1024xf32, #tpu.memory_space<hbm>> -> memref<1x16x1024xf32, #tpu.memory_space<hbm>>
    %dma_wait3A_81 = tpu.memref_squeeze %dma_wait3A_80 : memref<1x16x1024xf32, #tpu.memory_space<hbm>> -> memref<16x1024xf32, #tpu.memory_space<hbm>>
    %dma_wait3A_82 = tpu.memref_slice %arg10[%dma_wait3A_74] : memref<5x!tpu.dma_semaphore, #tpu.memory_space<semaphore_mem>> -> memref<1x!tpu.dma_semaphore, #tpu.memory_space<semaphore_mem>>
    %dma_wait3A_83 = tpu.memref_squeeze %dma_wait3A_82 : memref<1x!tpu.dma_semaphore, #tpu.memory_space<semaphore_mem>> -> memref<!tpu.dma_semaphore, #tpu.memory_space<semaphore_mem>>
    %dma_wait3A_84 = arith.constant 0 : i32
    %dma_wait3A_85 = tpu.memref_slice %arg5[%dma_wait3A_73, %add3A_72, %dma_wait3A_84] : memref<16x2048x1024xf32, #tpu.memory_space<hbm>> -> memref<1x16x1024xf32, #tpu.memory_space<hbm>>
    %dma_wait3A_86 = tpu.memref_squeeze %dma_wait3A_85 : memref<1x16x1024xf32, #tpu.memory_space<hbm>> -> memref<16x1024xf32, #tpu.memory_space<hbm>>
    %dma_wait3A_87 = arith.constant 0 : i32
    %dma_wait3A_88 = arith.constant 0 : i32
    %dma_wait3A_89 = tpu.memref_slice %arg7[%dma_wait3A, %dma_wait3A_87, %dma_wait3A_88] : memref<5x16x1024xf32, #tpu.memory_space<vmem>> -> memref<1x16x1024xf32, #tpu.memory_space<vmem>>
    %dma_wait3A_90 = tpu.memref_squeeze %dma_wait3A_89 : memref<1x16x1024xf32, #tpu.memory_space<vmem>> -> memref<16x1024xf32, #tpu.memory_space<vmem>>
    tpu.wait_dma2 semaphore(%dma_wait3A_83 : memref<!tpu.dma_semaphore, #tpu.memory_space<semaphore_mem>>) src(%dma_wait3A_90 : memref<16x1024xf32, #tpu.memory_space<vmem>>) dst(%dma_wait3A_86 : memref<16x1024xf32, #tpu.memory_space<hbm>>)
    %add3A_91 = arith.constant 32 : i32
    %add3A_92 = arith.addi %mul3A_2, %add3A_91 : i32
    %dma_wait3A_93 = arith.constant 0 : i32
    %dma_wait3A_94 = arith.constant 14 : i32
    %dma_wait3A_95 = arith.constant 0 : i32
    %dma_wait3A_96 = arith.constant 0 : i32
    %dma_wait3A_97 = arith.constant 0 : i32
    %dma_wait3A_98 = tpu.memref_slice %arg7[%dma_wait3A_93, %dma_wait3A_96, %dma_wait3A_97] : memref<5x16x1024xf32, #tpu.memory_space<vmem>> -> memref<1x16x1024xf32, #tpu.memory_space<vmem>>
    %dma_wait3A_99 = tpu.memref_squeeze %dma_wait3A_98 : memref<1x16x1024xf32, #tpu.memory_space<vmem>> -> memref<16x1024xf32, #tpu.memory_space<vmem>>
    %dma_wait3A_100 = arith.constant 0 : i32
    %dma_wait3A_101 = tpu.memref_slice %arg5[%dma_wait3A_94, %add3A_92, %dma_wait3A_100] : memref<16x2048x1024xf32, #tpu.memory_space<hbm>> -> memref<1x16x1024xf32, #tpu.memory_space<hbm>>
    %dma_wait3A_102 = tpu.memref_squeeze %dma_wait3A_101 : memref<1x16x1024xf32, #tpu.memory_space<hbm>> -> memref<16x1024xf32, #tpu.memory_space<hbm>>
    %dma_wait3A_103 = tpu.memref_slice %arg10[%dma_wait3A_95] : memref<5x!tpu.dma_semaphore, #tpu.memory_space<semaphore_mem>> -> memref<1x!tpu.dma_semaphore, #tpu.memory_space<semaphore_mem>>
    %dma_wait3A_104 = tpu.memref_squeeze %dma_wait3A_103 : memref<1x!tpu.dma_semaphore, #tpu.memory_space<semaphore_mem>> -> memref<!tpu.dma_semaphore, #tpu.memory_space<semaphore_mem>>
    %dma_wait3A_105 = arith.constant 0 : i32
    %dma_wait3A_106 = tpu.memref_slice %arg5[%dma_wait3A_94, %add3A_92, %dma_wait3A_105] : memref<16x2048x1024xf32, #tpu.memory_space<hbm>> -> memref<1x16x1024xf32, #tpu.memory_space<hbm>>
    %dma_wait3A_107 = tpu.memref_squeeze %dma_wait3A_106 : memref<1x16x1024xf32, #tpu.memory_space<hbm>> -> memref<16x1024xf32, #tpu.memory_space<hbm>>
    %dma_wait3A_108 = arith.constant 0 : i32
    %dma_wait3A_109 = arith.constant 0 : i32
    %dma_wait3A_110 = tpu.memref_slice %arg7[%dma_wait3A_93, %dma_wait3A_108, %dma_wait3A_109] : memref<5x16x1024xf32, #tpu.memory_space<vmem>> -> memref<1x16x1024xf32, #tpu.memory_space<vmem>>
    %dma_wait3A_111 = tpu.memref_squeeze %dma_wait3A_110 : memref<1x16x1024xf32, #tpu.memory_space<vmem>> -> memref<16x1024xf32, #tpu.memory_space<vmem>>
    tpu.wait_dma2 semaphore(%dma_wait3A_104 : memref<!tpu.dma_semaphore, #tpu.memory_space<semaphore_mem>>) src(%dma_wait3A_111 : memref<16x1024xf32, #tpu.memory_space<vmem>>) dst(%dma_wait3A_107 : memref<16x1024xf32, #tpu.memory_space<hbm>>)
    %add3A_112 = arith.constant 48 : i32
    %add3A_113 = arith.addi %mul3A_2, %add3A_112 : i32
    %dma_wait3A_114 = arith.constant 1 : i32
    %dma_wait3A_115 = arith.constant 14 : i32
    %dma_wait3A_116 = arith.constant 1 : i32
    %dma_wait3A_117 = arith.constant 0 : i32
    %dma_wait3A_118 = arith.constant 0 : i32
    %dma_wait3A_119 = tpu.memref_slice %arg7[%dma_wait3A_114, %dma_wait3A_117, %dma_wait3A_118] : memref<5x16x1024xf32, #tpu.memory_space<vmem>> -> memref<1x16x1024xf32, #tpu.memory_space<vmem>>
    %dma_wait3A_120 = tpu.memref_squeeze %dma_wait3A_119 : memref<1x16x1024xf32, #tpu.memory_space<vmem>> -> memref<16x1024xf32, #tpu.memory_space<vmem>>
    %dma_wait3A_121 = arith.constant 0 : i32
    %dma_wait3A_122 = tpu.memref_slice %arg5[%dma_wait3A_115, %add3A_113, %dma_wait3A_121] : memref<16x2048x1024xf32, #tpu.memory_space<hbm>> -> memref<1x16x1024xf32, #tpu.memory_space<hbm>>
    %dma_wait3A_123 = tpu.memref_squeeze %dma_wait3A_122 : memref<1x16x1024xf32, #tpu.memory_space<hbm>> -> memref<16x1024xf32, #tpu.memory_space<hbm>>
    %dma_wait3A_124 = tpu.memref_slice %arg10[%dma_wait3A_116] : memref<5x!tpu.dma_semaphore, #tpu.memory_space<semaphore_mem>> -> memref<1x!tpu.dma_semaphore, #tpu.memory_space<semaphore_mem>>
    %dma_wait3A_125 = tpu.memref_squeeze %dma_wait3A_124 : memref<1x!tpu.dma_semaphore, #tpu.memory_space<semaphore_mem>> -> memref<!tpu.dma_semaphore, #tpu.memory_space<semaphore_mem>>
    %dma_wait3A_126 = arith.constant 0 : i32
    %dma_wait3A_127 = tpu.memref_slice %arg5[%dma_wait3A_115, %add3A_113, %dma_wait3A_126] : memref<16x2048x1024xf32, #tpu.memory_space<hbm>> -> memref<1x16x1024xf32, #tpu.memory_space<hbm>>
    %dma_wait3A_128 = tpu.memref_squeeze %dma_wait3A_127 : memref<1x16x1024xf32, #tpu.memory_space<hbm>> -> memref<16x1024xf32, #tpu.memory_space<hbm>>
    %dma_wait3A_129 = arith.constant 0 : i32
    %dma_wait3A_130 = arith.constant 0 : i32
    %dma_wait3A_131 = tpu.memref_slice %arg7[%dma_wait3A_114, %dma_wait3A_129, %dma_wait3A_130] : memref<5x16x1024xf32, #tpu.memory_space<vmem>> -> memref<1x16x1024xf32, #tpu.memory_space<vmem>>
    %dma_wait3A_132 = tpu.memref_squeeze %dma_wait3A_131 : memref<1x16x1024xf32, #tpu.memory_space<vmem>> -> memref<16x1024xf32, #tpu.memory_space<vmem>>
    tpu.wait_dma2 semaphore(%dma_wait3A_125 : memref<!tpu.dma_semaphore, #tpu.memory_space<semaphore_mem>>) src(%dma_wait3A_132 : memref<16x1024xf32, #tpu.memory_space<vmem>>) dst(%dma_wait3A_128 : memref<16x1024xf32, #tpu.memory_space<hbm>>)
    %add3A_133 = arith.constant 32 : i32
    %add3A_134 = arith.addi %mul3A_2, %add3A_133 : i32
    %dma_wait3A_135 = arith.constant 2 : i32
    %dma_wait3A_136 = arith.constant 15 : i32
    %dma_wait3A_137 = arith.constant 2 : i32
    %dma_wait3A_138 = arith.constant 0 : i32
    %dma_wait3A_139 = arith.constant 0 : i32
    %dma_wait3A_140 = tpu.memref_slice %arg7[%dma_wait3A_135, %dma_wait3A_138, %dma_wait3A_139] : memref<5x16x1024xf32, #tpu.memory_space<vmem>> -> memref<1x16x1024xf32, #tpu.memory_space<vmem>>
    %dma_wait3A_141 = tpu.memref_squeeze %dma_wait3A_140 : memref<1x16x1024xf32, #tpu.memory_space<vmem>> -> memref<16x1024xf32, #tpu.memory_space<vmem>>
    %dma_wait3A_142 = arith.constant 0 : i32
    %dma_wait3A_143 = tpu.memref_slice %arg5[%dma_wait3A_136, %add3A_134, %dma_wait3A_142] : memref<16x2048x1024xf32, #tpu.memory_space<hbm>> -> memref<1x16x1024xf32, #tpu.memory_space<hbm>>
    %dma_wait3A_144 = tpu.memref_squeeze %dma_wait3A_143 : memref<1x16x1024xf32, #tpu.memory_space<hbm>> -> memref<16x1024xf32, #tpu.memory_space<hbm>>
    %dma_wait3A_145 = tpu.memref_slice %arg10[%dma_wait3A_137] : memref<5x!tpu.dma_semaphore, #tpu.memory_space<semaphore_mem>> -> memref<1x!tpu.dma_semaphore, #tpu.memory_space<semaphore_mem>>
    %dma_wait3A_146 = tpu.memref_squeeze %dma_wait3A_145 : memref<1x!tpu.dma_semaphore, #tpu.memory_space<semaphore_mem>> -> memref<!tpu.dma_semaphore, #tpu.memory_space<semaphore_mem>>
    %dma_wait3A_147 = arith.constant 0 : i32
    %dma_wait3A_148 = tpu.memref_slice %arg5[%dma_wait3A_136, %add3A_134, %dma_wait3A_147] : memref<16x2048x1024xf32, #tpu.memory_space<hbm>> -> memref<1x16x1024xf32, #tpu.memory_space<hbm>>
    %dma_wait3A_149 = tpu.memref_squeeze %dma_wait3A_148 : memref<1x16x1024xf32, #tpu.memory_space<hbm>> -> memref<16x1024xf32, #tpu.memory_space<hbm>>
    %dma_wait3A_150 = arith.constant 0 : i32
    %dma_wait3A_151 = arith.constant 0 : i32
    %dma_wait3A_152 = tpu.memref_slice %arg7[%dma_wait3A_135, %dma_wait3A_150, %dma_wait3A_151] : memref<5x16x1024xf32, #tpu.memory_space<vmem>> -> memref<1x16x1024xf32, #tpu.memory_space<vmem>>
    %dma_wait3A_153 = tpu.memref_squeeze %dma_wait3A_152 : memref<1x16x1024xf32, #tpu.memory_space<vmem>> -> memref<16x1024xf32, #tpu.memory_space<vmem>>
    tpu.wait_dma2 semaphore(%dma_wait3A_146 : memref<!tpu.dma_semaphore, #tpu.memory_space<semaphore_mem>>) src(%dma_wait3A_153 : memref<16x1024xf32, #tpu.memory_space<vmem>>) dst(%dma_wait3A_149 : memref<16x1024xf32, #tpu.memory_space<hbm>>)
    %add3A_154 = arith.constant 48 : i32
    %add3A_155 = arith.addi %mul3A_2, %add3A_154 : i32
    %dma_wait3A_156 = arith.constant 3 : i32
    %dma_wait3A_157 = arith.constant 15 : i32
    %dma_wait3A_158 = arith.constant 3 : i32
    %dma_wait3A_159 = arith.constant 0 : i32
    %dma_wait3A_160 = arith.constant 0 : i32
    %dma_wait3A_161 = tpu.memref_slice %arg7[%dma_wait3A_156, %dma_wait3A_159, %dma_wait3A_160] : memref<5x16x1024xf32, #tpu.memory_space<vmem>> -> memref<1x16x1024xf32, #tpu.memory_space<vmem>>
    %dma_wait3A_162 = tpu.memref_squeeze %dma_wait3A_161 : memref<1x16x1024xf32, #tpu.memory_space<vmem>> -> memref<16x1024xf32, #tpu.memory_space<vmem>>
    %dma_wait3A_163 = arith.constant 0 : i32
    %dma_wait3A_164 = tpu.memref_slice %arg5[%dma_wait3A_157, %add3A_155, %dma_wait3A_163] : memref<16x2048x1024xf32, #tpu.memory_space<hbm>> -> memref<1x16x1024xf32, #tpu.memory_space<hbm>>
    %dma_wait3A_165 = tpu.memref_squeeze %dma_wait3A_164 : memref<1x16x1024xf32, #tpu.memory_space<hbm>> -> memref<16x1024xf32, #tpu.memory_space<hbm>>
    %dma_wait3A_166 = tpu.memref_slice %arg10[%dma_wait3A_158] : memref<5x!tpu.dma_semaphore, #tpu.memory_space<semaphore_mem>> -> memref<1x!tpu.dma_semaphore, #tpu.memory_space<semaphore_mem>>
    %dma_wait3A_167 = tpu.memref_squeeze %dma_wait3A_166 : memref<1x!tpu.dma_semaphore, #tpu.memory_space<semaphore_mem>> -> memref<!tpu.dma_semaphore, #tpu.memory_space<semaphore_mem>>
    %dma_wait3A_168 = arith.constant 0 : i32
    %dma_wait3A_169 = tpu.memref_slice %arg5[%dma_wait3A_157, %add3A_155, %dma_wait3A_168] : memref<16x2048x1024xf32, #tpu.memory_space<hbm>> -> memref<1x16x1024xf32, #tpu.memory_space<hbm>>
    %dma_wait3A_170 = tpu.memref_squeeze %dma_wait3A_169 : memref<1x16x1024xf32, #tpu.memory_space<hbm>> -> memref<16x1024xf32, #tpu.memory_space<hbm>>
    %dma_wait3A_171 = arith.constant 0 : i32
    %dma_wait3A_172 = arith.constant 0 : i32
    %dma_wait3A_173 = tpu.memref_slice %arg7[%dma_wait3A_156, %dma_wait3A_171, %dma_wait3A_172] : memref<5x16x1024xf32, #tpu.memory_space<vmem>> -> memref<1x16x1024xf32, #tpu.memory_space<vmem>>
    %dma_wait3A_174 = tpu.memref_squeeze %dma_wait3A_173 : memref<1x16x1024xf32, #tpu.memory_space<vmem>> -> memref<16x1024xf32, #tpu.memory_space<vmem>>
    tpu.wait_dma2 semaphore(%dma_wait3A_167 : memref<!tpu.dma_semaphore, #tpu.memory_space<semaphore_mem>>) src(%dma_wait3A_174 : memref<16x1024xf32, #tpu.memory_space<vmem>>) dst(%dma_wait3A_170 : memref<16x1024xf32, #tpu.memory_space<hbm>>)
    return
  }
}

</mosaic_0001>

<sc_bundles>
// kernel: kernel.3.cloned.1.call-start
scs
__scs_entry_jumppad:
0x0: {  	(pc) =	sbr.rel $0x88, $3  }
0x1: {  	(tag) =	ssettag $0x0;
	lr =	simm.s32 $0x1  }
0x2: {  	[smem:$0x3F9C] =	sst lr;
	_ =	strace $0xD0000000  }
0x3: {  	_ = 	snop  }
0x4: {  	_ = 	snop  }
0x5: {  	_ = 	snop  }
0x6: {  	_ = 	snop  }
0x7: {  	_ = 	snop  }
__scs_overlays_trampoline_lowered:
0x8: {  	[smem:$0x3FAB] =	sst s0  }
0x9: {  	[smem:$0x3FAC] =	sst s1  }
0xa: {  	[smem:$0x3FAD] =	sst s2  }
0xb: {  	[smem:$0x3FAE] =	sst s3  }
0xc: {  	[smem:$0x3FAF] =	sst s4  }
0xd: {  	[smem:$0x3FB0] =	sst s5  }
0xe: {  	[smem:$0x3FB1] =	sst s6  }
0xf: {  	[smem:$0x3FB2] =	sst s7  }
0x10: {  	[smem:$0x3FB3] =	sst s8  }
0x11: {  	[smem:$0x3FB4] =	sst s9;
	s0 =	simm.s32 @!p0 $0x0  }
0x12: {  	s1 =	sld [smem:$0x3F9A];
	s0 =	simm.s32 @p0 $0x1  }
0x13: {  	[smem:$0x3FB5] =	sst s0;
	s0 =	simm.s32 @!p1 $0x0  }
0x14: {  	s2 =	sld [smem:$0x3F99];
	s0 =	simm.s32 @p1 $0x1  }
0x15: {  	[smem:$0x3FB6] =	sst s0;
	s0 =	simm.s32 @!p2 $0x0  }
0x16: {  	s3 =	sld [smem:$0x3FDB];
	s0 =	simm.s32 @p2 $0x1  }
0x17: {  	s4 =	simm.s32 $0x1BF5;
	[smem:$0x3FB8] =	sst s0  }
0x18: {  	s0 =	sld [smem:$0x3F9B];
	_ =	swait.ge [sflag:s4], $0x0  }
0x19: {  	s7 =	sld [smem:$0x3F9C]  }
0x1a: {  	s8 =	sadd.s32 $0xFFFFE003, lr  }
0x1b: {  	s9 =	sadd.s32 $0xFFFFFEF7, lr;
	s5 =	simm.s32 $0xFFFFFFFF;
	p2 =	slt.u32 s8, $0xFFFFF086  }
0x1c: {  	p1 =	slt.u32 s9, $0xF7A;
	s5 =	simm.s32 @!p2 $0x0  }
0x1d: {  	s5 =	simm.s32 @p1 $0x1;
	p0 =	seq.s32 s7, s2  }
0x1e: {  	s7 =	smul.u32 @!p0 $0xF7A, s2;
	p2 =	seq.s32 @!p0 s5, $0x0  }
0x1f: {  	s9 =	smul.u32 $0xF7A, s1;
	s8 =	simm.s32 @!p0 $0x1BF5;
	p2 =	por !p2, p0  }
0x20: {  	[sflag:s8] =	ssyncset.s32 @!p0 $0xFFFFF086;
	s6 =	sadd.s32 @!p0 s3, s7;
	s7 =	simm.s32 @!p0 $0x108  }
0x21: {  	s3 =	sadd.s32 s3, s9;
	s6 =	sadd.s32 @!p0 $0x88, s6;
	s7 =	simm.s32 @p2 $0x1082  }
0x22: {  	[simem:s7], [sflag:s8] =	dma.local @!p0 [hbm:s6], $0xF7A  }
0x23: {  	s9 =	sor.u32 $0xD0000000, s2;
	s6 =	simm.s32 $0x108;
	_ =	swait.ge @!p0 [sflag:s8], $0x0  }
0x24: {  	s3 =	sadd.s32 $0x88, s3;
	s6 =	simm.s32 @!p1 $0x1082;
	[sflag:s4] =	ssyncset.s32 $0xFFFFF086  }
0x25: {  	[simem:s6], [sflag:s4] =	dma.local [hbm:s3], $0xF7A  }
0x26: {  	[smem:$0x3F9C] =	sst s1;
	(tag) =	ssettag s2;
	_ =	strace s9  }
0x27: {  	s1 =	sld [smem:$0x3FAC]  }
0x28: {  	s2 =	sld [smem:$0x3FAD]  }
0x29: {  	s4 =	sld [smem:$0x3FAF]  }
0x2a: {  	p0 =	seq.s32 s5, $0x0;
	s5 =	sld [smem:$0x3FB0]  }
0x2b: {  	s6 =	sld [smem:$0x3FB1]  }
0x2c: {  	s7 =	sld [smem:$0x3FB2]  }
0x2d: {  	s3 =	simm.s32 $0x108;
	s8 =	sld [smem:$0x3FB3]  }
0x2e: {  	s3 =	simm.s32 @!p0 $0x1082;
	s9 =	sld [smem:$0x3FB4]  }
0x2f: {  	lr =	sadd.s32 s0, s3;
	s0 =	sld [smem:$0x3FAB]  }
0x30: {  	s3 =	sld [smem:$0x3FAE]  }
0x31: {  	[smem:$0x3FB7] =	sst s10  }
0x32: {  	s10 =	sld [smem:$0x3FB5];
	_ =	sdelay $0x3  }
0x33: {  	p0 =	seq.s32 s10, $0x1;
	s10 =	sld [smem:$0x3FB7];
	_ =	sdelay $0x3  }
0x34: {  	[smem:$0x3FB7] =	sst s10  }
0x35: {  	s10 =	sld [smem:$0x3FB6];
	_ =	sdelay $0x3  }
0x36: {  	p1 =	seq.s32 s10, $0x1;
	s10 =	sld [smem:$0x3FB7];
	_ =	sdelay $0x3  }
0x37: {  	[smem:$0x3FB7] =	sst s10  }
0x38: {  	s10 =	sld [smem:$0x3FB8]  }
0x39: {  	_ = 	snop;
	(pc) =	sbr.ind lr, $3  }
0x3a: {  	_ = 	snop  }
0x3b: {  	_ = 	snop  }
0x3c: {  	p2 =	seq.s32 s10, $0x1;
	s10 =	sld [smem:$0x3FB7]  }
0x3d: {  	_ =	shalt  }
0x3e: {  	_ =	shalt  }
0x3f: {  	_ =	shalt  }
0x40: {  	_ =	shalt  }
0x41: {  	_ =	shalt  }
0x42: {  	_ =	shalt  }
0x43: {  	_ =	shalt  }
0x44: {  	_ =	shalt  }
0x45: {  	_ =	shalt  }
0x46: {  	_ =	shalt  }
0x47: {  	_ =	shalt  }
0x48: {  	_ =	shalt  }
0x49: {  	_ =	shalt  }
0x4a: {  	_ =	shalt  }
0x4b: {  	_ =	shalt  }
0x4c: {  	_ =	shalt  }
0x4d: {  	_ =	shalt  }
0x4e: {  	_ =	shalt  }
0x4f: {  	_ =	shalt  }
0x50: {  	_ =	shalt  }
0x51: {  	_ =	shalt  }
0x52: {  	_ =	shalt  }
0x53: {  	_ =	shalt  }
0x54: {  	_ =	shalt  }
0x55: {  	_ =	shalt  }
0x56: {  	_ =	shalt  }
0x57: {  	_ =	shalt  }
0x58: {  	_ =	shalt  }
0x59: {  	_ =	shalt  }
0x5a: {  	_ =	shalt  }
0x5b: {  	_ =	shalt  }
0x5c: {  	_ =	shalt  }
0x5d: {  	_ =	shalt  }
0x5e: {  	_ =	shalt  }
0x5f: {  	_ =	shalt  }
0x60: {  	_ =	shalt  }
0x61: {  	_ =	shalt  }
0x62: {  	_ =	shalt  }
0x63: {  	_ =	shalt  }
0x64: {  	_ =	shalt  }
0x65: {  	_ =	shalt  }
0x66: {  	_ =	shalt  }
0x67: {  	_ =	shalt  }
0x68: {  	_ =	shalt  }
0x69: {  	_ =	shalt  }
0x6a: {  	_ =	shalt  }
0x6b: {  	_ =	shalt  }
0x6c: {  	_ =	shalt  }
0x6d: {  	_ =	shalt  }
0x6e: {  	_ =	shalt  }
0x6f: {  	_ =	shalt  }
0x70: {  	_ =	shalt  }
0x71: {  	_ =	shalt  }
0x72: {  	_ =	shalt  }
0x73: {  	_ =	shalt  }
0x74: {  	_ =	shalt  }
0x75: {  	_ =	shalt  }
0x76: {  	_ =	shalt  }
0x77: {  	_ =	shalt  }
0x78: {  	_ =	shalt  }
0x79: {  	_ =	shalt  }
0x7a: {  	_ =	shalt  }
0x7b: {  	_ =	shalt  }
0x7c: {  	_ =	shalt  }
0x7d: {  	_ =	shalt  }
0x7e: {  	_ =	shalt  }
0x7f: {  	_ =	shalt  }
0x80: {  	_ =	shalt  }
0x81: {  	_ =	shalt  }
0x82: {  	_ =	shalt  }
0x83: {  	_ =	shalt  }
0x84: {  	_ =	shalt  }
0x85: {  	_ =	shalt  }
0x86: {  	_ =	shalt  }
0x87: {  	_ =	shalt  }
.Lfunc_end0:
.L_simem_size_0:
called_computation_lowered:
.L_overlay_start_0:
0x88: {  	s2 =	sld [smem:$0x3FD9]  }
0x89: {  	s3 =	sld [smem:$0x3FFE];
	_ =	sdelay $0x1  }
0x8a: {  	s1 =	srdreg.scid  }
0x8b: {  	s0 =	sand.u32 $0x1, s1  }
0x8c: {  	s17 =	sshll.u32 s0, $0xA;
	s2 =	sadd.s32 s3, s2  }
0x8d: {  	s2 =	sadd.s32 s2, s17  }
0x8e: {  	[smem:$0x3FC3] =	sst s2  }
0x8f: {  	_ = 	snop  }
0x90: {  	s2 =	sld [smem:$0x3FC9]  }
0x91: {  	s18 =	sld [smem:$0x3FD0];
	(tm) =	ssettm $0x1  }
0x92: {  	s4 =	sld [smem:$0x3FFB];
	_ =	sdelay $0x3  }
0x93: {  	_ =	strace s4  }
0x94: {  	s4 =	sld [smem:$0x3FFC];
	_ =	sdelay $0x3  }
0x95: {  	_ =	strace s4  }
0x96: {  	s4 =	sld [smem:$0x3FFD];
	_ =	sdelay $0x3  }
0x97: {  	_ =	strace s4  }
0x98: {  	_ =	strace $0x8FFFFFFF  }
0x99: {  	s19 =	sld [smem:$0x3FDB];
	_ =	sdelay $0x1  }
0x9a: {  	s5 =	simm.s32 $_scs_section_size  }
0x9b: {  	s6 =	simm.s32 $_size__tile_overlayer_lowered;
	s7 =	simm.s32 $_tile_overlayer_lowered  }
0x9c: {  	s22 =	simm.s32 $0x1BFF;
	s21 =	sshll.u32 s7, $0x1;
	s4 =	sadd.s32 s5, s19  }
0x9d: {  	s8 =	simm.s32 $0x0;
	s20 =	sshll.u32 s6, $0x1;
	s6 =	sadd.s32 s21, s4  }
0x9e: {  	[timem:s8], [sflag:s22] =	dma.local [hbm:s6], s20  }
0x9f: {  	_ =	swait.ge [sflag:s22], s20  }
0xa0: {  	s5 =	ssub.s32 $0x0, s20;
	[sflag:s22] =	ssyncset.done $0x0  }
0xa1: {  	[sflag:s22] =	ssyncadd.s32 s5;
	_ =	sdelay $0x1  }
0xa2: {  	s23 =	simm.s32 $0x1B8B  }
0xa3: {  	_ =	swait.ge [sflag:s23], $0x1  }
0xa4: {  	[sflag:s23] =	ssyncset.done $0x0  }
0xa5: {  	s25 =	simm.s32 $0x1B8E;
	s24 =	sld [smem:$0x3FFE];
	[sflag:s23] =	ssyncadd.s32 $0xFFFFFFFF  }
0xa6: {  	s26 =	simm.s32 $execute0_lowered;
	[smem:$0x3FD2] =	sst s25  }
0xa7: {  	s6 =	sshll.u32 s26, $0x1;
	_ =	strace $0x80000046;
	[dreg:$0x1] =	wrdreg $0xFFFFFFFF  }
0xa8: {  	s28 =	simm.s32 $_size_execute0_lowered;
	s4 =	sadd.s32 s4, s6;
	[dreg:$0x0] =	wrdreg $0x0  }
0xa9: {  	s6 =	sshll.u32 s28, $0x1;
	[dreg:$0x2] =	wrdreg s4  }
0xaa: {  	[dreg:$0x3] =	wrdreg s6  }
0xab: {  	[dreg:$0x4] =	wrdreg $0xC0  }
0xac: {  	_ =	task [dreg:s8], $0x5FFFF  }
0xad: {  	[dreg:$0x1] =	wrdreg $0xFFFFFFFF  }
0xae: {  	[dreg:$0x0] =	wrdreg $0x60  }
0xaf: {  	[dreg:$0x2] =	wrdreg s24  }
0xb0: {  	[dreg:$0x3] =	wrdreg s2  }
0xb1: {  	[dreg:$0x4] =	wrdreg s18  }
0xb2: {  	[dreg:$0x5] =	wrdreg $0x9  }
0xb3: {  	_ =	task.clear_ibuf [dreg:s8], $0x6FFFF;
	_ =	strace $0x90000046  }
0xb4: {  	s29 =	simm.s32 $0x9;
	_ =	strace $0x80000048  }
0xb5: {  	_ =	swait.ge [sflag:s29], $0x1  }
0xb6: {  	[sflag:s29] =	ssyncadd.s32 $0xFFFFFFFF  }
0xb7: {  	_ =	strace $0x90000048  }
0xb8: {  	_ =	sfence  }
0xb9: {  	s30 =	sld [smem:$0x0];
	_ =	sdelay $0x2  }
0xba: {  	s31 =	sshll.u32 s1, $0xD;
	s1 =	sshrl.u32 s1, $0x2  }
0xbb: {  	s3 =	sand.u32 $0x4000, s31;
	s1 =	sadd.s32 s1, s30  }
0xbc: {  	s0 =	sor.u32 s3, s0;
	s1 =	sshll.u32 s1, $0x11  }
0xbd: {  	s0 =	sor.u32 s1, s0  }
0xbe: {  	s0 =	sadd.s32 $0x8F2B, s0  }
0xbf: {  	[sflag:s0] =	ssyncadd.remote.s32 $0x1  }
0xc0: {  	_ =	sfence.sel $0xFFFF  }
0xc1: {  	[dreg:$0x0] =	wrdreg $0xFFFFFFFF;
	(pc) =	sbr.abs _section_cstart, $3  }
0xc2: {  	[dreg:$0x1] =	wrdreg $0xFFFFFFFF  }
0xc3: {  	_ =	task.clear_ibuf [dreg:s8], $0x2FFFF;
	_ =	strace $0x9FFFFFFF  }
0xc4: {  	(tm) =	ssettm $0x7FFFFFFF  }
0xc5: {  	_ =	shalt  }
tec
execute0_lowered:
.L_overlay_start_1:
0x0: {  	(tag) =	ssettag $0x1  }
0x1: {  	s0 =	rddreg [dreg:$0x0]  }
0x2: {  	s2 =	rddreg [dreg:$0x1]  }
0x3: {  	s3 =	rddreg [dreg:$0x2];
	s1 =	srdreg.scid  }
0x4: {  	s5 =	stileid.u32;
	s4 =	simm.s32 $0x0;
	s13 =	simm.s32 $0xB  }
0x5: {  	s18 =	simm.s32 $0xA;
	s19 =	simm.s32 $0x6;
	s20 =	simm.s32 $0x7  }
0x6: {  	s21 =	simm.s32 $0x8;
	s22 =	simm.s32 $0x9;
	s1 =	sand.u32 $0x1, s1  }
0x7: {  	s23 =	simm.s32 $0x0;
	s5 =	sshll.u32 s5, $0x7;
	s6 =	sshll.u32 s1, $0x6  }
0x8: {  	[smem:$0x7FF] =	sst s4;
	s29 =	sadd.s32 $0x40400, s0;
	s5 =	sor.u32 s6, s5  }
0x9: {  	_ =	strace $0x80000047;
	s1 =	ssub.s32 $0x2, s1;
	s8 =	sshll.u32 s5, $0x7  }
0xa: {  	[dreg:$0x4] =	wrdreg s29;
	s7 =	sshrl.u32 s1, $0x1;
	s0 =	sadd.s32 s8, s0  }
0xb: {  	s1 =	ssub.s32 s1, s7;
	s8 =	sadd.s32 s2, s8;
	s30 =	sadd.s32 $0x400, s0  }
0xc: {  	s12 =	smax.u32 s1, $0x1;
	s31 =	sadd.s32 $0x800, s8;
	[dreg:$0x5] =	wrdreg s30  }
0xd: {  	s10 =	sadd.s32 $0x40000, s8;
	s11 =	sadd.s32 $0x1400, s0;
	[dreg:$0x6] =	wrdreg s31  }
.LBB2_1:
0xe: {  	s0 =	rddreg [dreg:$0x5]  }
0xf: {  	[tilespmem:s4], [sflag:$0xB] =	stream.linear.gather [hbm4b:s0+s4], $0x8000, $0x38;
	[tilespmem:$0x1C800] =	vst v63  }
0x10: {  	_ =	swait.ge [sflag:s13], $0x8000  }
0x11: {  	[sflag:s13] =	ssyncset.done $0x0  }
0x12: {  	s1 =	simm.s32 $0x1C000;
	s26 =	rddreg [dreg:$0x4];
	[sflag:s13] =	ssyncadd.s32 $0xFFFF8000  }
0x13: {  	[tilespmem:s1], [sflag:$0xB] =	stream.linear.gather [hbm4b:s26+s4], $0x800, $0x38;
	[tilespmem:$0x1C800] =	vst v63  }
0x14: {  	_ =	swait.ge [sflag:s13], $0x800  }
0x15: {  	[sflag:s13] =	ssyncset.done $0x0  }
0x16: {  	s28 =	simm.s32 $0x8000;
	[sflag:s13] =	ssyncadd.s32 $0xFFFFF800  }
0x17: {  	[tilespmem:s28], [sflag:$0x1] =	stream.linear.gather [hbm4b:s8+s4], $0x4000, $0x38;
	[tilespmem:$0x1C800] =	vst v63  }
0x18: {  	s30 =	simm.s32 $0xC000;
	s29 =	rddreg [dreg:$0x6]  }
0x19: {  	[tilespmem:s30], [sflag:$0x2] =	stream.linear.gather [hbm4b:s29+s4], $0x4000, $0x38;
	[tilespmem:$0x1C800] =	vst v63  }
0x1a: {  	s31 =	simm.s32 $0x10000;
	s24 =	simm.s32 $0x0  }
0x1b: {  	[tilespmem:s31], [sflag:$0x3] =	stream.linear.gather [hbm4b:s10+s4], $0x4000, $0x38;
	[tilespmem:$0x1C800] =	vst v63  }
.LBB2_2:
0x1c: {  	s0 =	sadd.s32 $0x3, s24;
	p0 =	sgt.u32 s24, $0x3C  }
0x1d: {  	s25 =	smul.u32 $0xCD, s24;
	s6 =	sand.u32 $0x1F, s24;
	s31 =	simm.s32 $0x0  }
0x1e: {  	s1 =	smul.u32 @!p0 $0xCD, s0;
	s14 =	sand.u32 @!p0 $0x60, s0;
	s15 =	sand.u32 @!p0 $0x1, s0  }
0x1f: {  	s31 =	sand.u32 $0x380, s31;
	p1 =	seq.s32 @!p0 s0, s14;
	p2 =	seq.s32 @!p0 s15, $0x1  }
0x20: {  	s15 =	simm.s32 @!p0 $0x1;
	s14 =	sadd.s32 @!p0 s5, s14;
	s1 =	sshrl.u32 @!p0 s1, $0xA  }
0x21: {  	s17 =	sshrl.u32 s25, $0xA;
	s25 =	sand.u32 $0x1, s24;
	s1 =	sand.u32 @!p0 $0x3F, s1  }
0x22: {  	p2 =	por @!p0 !p1, !p2;
	p1 =	slt.u32 @!p0 s24, $0x2;
	s1 =	smul.u32 @!p0 $0x5, s1  }
0x23: {  	s14 =	sshll.u32 @!p0 s14, $0xA;
	p6 =	seq.s32 s25, $0x1;
	p2 =	por @!p0 !p2, !p2  }
0x24: {  	p2 =	por !p2, p0;
	s1 =	ssub.s32 @!p0 s0, s1;
	s0 =	sand.u32 @!p0 $0x1F, s0  }
0x25: {  	p1 =	por p1, p0;
	s15 =	simm.s32 @p2 $0x0;
	s26 =	sshrl.u32 @!p0 s0, $0x1  }
0x26: {  	s1 =	sand.u32 @!p0 $0xFF, s1;
	s0 =	sshll.u32 @!p0 s0, $0xE;
	s15 =	ssub.s32 @!p0 s26, s15  }
0x27: {  	s26 =	sadd.s32 @!p1 $0x6, s1;
	s0 =	sadd.s32 @!p0 s14, s0;
	s28 =	sshll.u32 @!p0 s15, $0xF  }
0x28: {  	_ =	swait.ge @!p1 [sflag:s26], $0x4000;
	s14 =	sshll.u32 @!p0 s15, $0x15;
	s15 =	simm.s32 @!p0 $0x0  }
0x29: {  	s0 =	ssub.s32 @!p0 s0, s28;
	[sflag:s26] =	ssyncset.done @!p1 $0x0;
	s28 =	sshrl.u32 s6, $0x1  }
0x2a: {  	s0 =	sadd.s32 @!p0 s14, s0;
	s14 =	sshll.u32 @!p0 s1, $0xE;
	[sflag:s26] =	ssyncadd.s32 @!p1 $0xFFFFC000  }
0x2b: {  	s1 =	sadd.s32 @!p0 $0x1, s1;
	p1 =	sne.s32 @!p0 s24, $0x20;
	s0 =	sshrl.u32 @!p0 s0, $0x3  }
0x2c: {  	s26 =	sand.u32 $0x20, s24;
	s14 =	sadd.s32 @!p0 $0x8000, s14;
	s0 =	sadd.s32 @!p0 s2, s0  }
0x2d: {  	[tilespmem:s14], [sflag:s1] =	stream.linear.gather @!p0 [hbm4b:s0+s15], $0x4000, $0x38;
	[tilespmem:$0x1C800] =	vst v63  }
0x2e: {  	p5 =	seq.s32 s24, s26;
	p0 =	por p1, p0;
	s0 =	sand.u32 $0x3F, s17  }
0x2f: {  	p1 =	por !p5, !p6;
	s14 =	simm.s32 $0x1;
	s1 =	simm.s32 @!p0 $0x0  }
0x30: {  	s0 =	smul.u32 $0x5, s0;
	p1 =	por !p1, !p1;
	s15 =	simm.s32 @!p0 $0xB  }
0x31: {  	[tilespmem:s1], [sflag:$0xB] =	stream.linear.gather @!p0 [hbm4b:s11+s1], $0x8000, $0x38;
	[tilespmem:$0x1C800] =	vst v63  }
0x32: {  	s14 =	simm.s32 @!p1 $0x0;
	s1 =	sshll.u32 s6, $0x4;
	s0 =	ssub.s32 s24, s0  }
0x33: {  	_ =	swait.ge @!p0 [sflag:s15], $0x8000;
	s28 =	ssub.s32 s28, s14;
	s25 =	sand.u32 $0xFF, s0  }
0x34: {  	[sflag:s15] =	ssyncset.done @!p0 $0x0;
	s7 =	sshll.u32 s28, $0x5;
	s0 =	simm.s32 $0x0  }
0x35: {  	[sflag:s15] =	ssyncadd.s32 @!p0 $0xFFFF8000;
	s30 =	ssub.s32 s1, s7;
	s9 =	sadd.s32 $0x1, s25  }
0x36: {  	s17 =	sshll.u32 s25, $0xE;
	s6 =	sand.u32 $0x1800, s0;
	s7 =	sand.u32 $0x2000, s0  }
0x37: {  	_ =	swait.ge [sflag:s9], $0x4000;
	s29 =	sadd.s32 $0x8000, s17;
	s16 =	sadd.s32 $0x0, s30  }
0x38: {  	s17 =	sor.u32 $0x400, s6;
	s15 =	sadd.s32 s7, s29;
	s16 =	sshll.u32 s16, $0xA  }
0x39: {  	[sflag:s9] =	ssyncset.done $0x0;
	s15 =	sadd.s32 s31, s15;
	s16 =	sand.u32 $0xFFFFE000, s16  }
0x3a: {  	[sflag:s9] =	ssyncadd.s32 $0xFFFFC000;
	s9 =	sor.u32 s31, s16;
	s31 =	sadd.s32 s17, s15  }
0x3b: {  	s16 =	sor.u32 s17, s9;
	v11 =	vld [tilespmem:s31+$0x70]  }
0x3c: {  	s1 =	sor.u32 s6, s9;
	v12 =	vld [tilespmem:s16+$0x70]  }
0x3d: {  	v13 =	vld [tilespmem:s1+$0x0]  }
0x3e: {  	v16 =	vld [tilespmem:s1+$0x10]  }
0x3f: {  	v17 =	vld [tilespmem:s1+$0x20]  }
0x40: {  	v18 =	vld [tilespmem:s1+$0x30]  }
0x41: {  	v10 =	vld [tilespmem:s1+$0x40]  }
0x42: {  	v9 =	vld [tilespmem:s1+$0x50]  }
0x43: {  	v8 =	vld [tilespmem:s1+$0x60]  }
0x44: {  	v7 =	vld [tilespmem:s1+$0x70]  }
0x45: {  	v6 =	vld [tilespmem:s16+$0x0]  }
0x46: {  	v5 =	vld [tilespmem:s16+$0x10]  }
0x47: {  	v4 =	vld [tilespmem:s16+$0x20]  }
0x48: {  	v3 =	vld [tilespmem:s16+$0x30]  }
0x49: {  	v2 =	vld [tilespmem:s16+$0x40]  }
0x4a: {  	v1 =	vld [tilespmem:s16+$0x50]  }
0x4b: {  	s1 =	sadd.s32 s6, s15;
	v0 =	vld [tilespmem:s16+$0x60]  }
0x4c: {  	v14 =	vld [tilespmem:s1+$0x0]  }
0x4d: {  	v19 =	vld [tilespmem:s1+$0x10]  }
0x4e: {  	v20 =	vld [tilespmem:s1+$0x20]  }
0x4f: {  	v21 =	vld [tilespmem:s1+$0x30]  }
0x50: {  	v15 =	vld [tilespmem:s1+$0x40];
	v11 =	vadd.f32 v12, v11  }
0x51: {  	v12 =	vadd.f32 v13, v14;
	v14 =	vld [tilespmem:s1+$0x50]  }
0x52: {  	v13 =	vld [tilespmem:s1+$0x60];
	[tilespmem:s31+$0x70] =	vst v11;
	v11 =	vadd.f32 v16, v19  }
0x53: {  	v17 =	vadd.f32 v17, v20;
	[tilespmem:s1+$0x0] =	vst v12;
	v12 =	vld [tilespmem:s1+$0x70]  }
0x54: {  	s14 =	simm.s32 $0x0;
	s15 =	simm.s32 $0x0;
	v16 =	vadd.f32 v18, v21;
	[tilespmem:s1+$0x10] =	vst v11;
	v11 =	vld [tilespmem:s31+$0x0]  }
.LBB2_3:
0x55: {  	s14 =	sadd.s32 $0x10, s14;
	[tilespmem:s1+$0x20] =	vst v17;
	v10 =	vadd.f32 v10, v15;
	v15 =	vld [tilespmem:s31+$0x10];
	s0 =	sadd.s32 $0x800, s0  }
0x56: {  	s15 =	sadd.s32 $0x100, s15;
	s16 =	sshrl.u32 s14, $0x6;
	s17 =	sand.u32 $0x1800, s0;
	[tilespmem:s1+$0x30] =	vst v16;
	v9 =	vadd.f32 v9, v14;
	v14 =	vld [tilespmem:s31+$0x20]  }
0x57: {  	s6 =	sand.u32 $0x2000, s15;
	s7 =	sshll.u32 s14, $0x1;
	s16 =	sadd.s32 s30, s16;
	[tilespmem:s1+$0x40] =	vst v10;
	v8 =	vadd.f32 v8, v13;
	v10 =	vld [tilespmem:s31+$0x30]  }
0x58: {  	s7 =	sand.u32 $0x380, s7;
	s6 =	sadd.s32 s6, s29;
	s16 =	sshll.u32 s16, $0xA;
	[tilespmem:s1+$0x50] =	vst v9;
	v7 =	vadd.f32 v7, v12;
	v9 =	vld [tilespmem:s31+$0x40]  }
0x59: {  	s9 =	sor.u32 $0x400, s17;
	s6 =	sadd.s32 s7, s6;
	s16 =	sand.u32 $0xFFFFE000, s16;
	[tilespmem:s1+$0x60] =	vst v8;
	v6 =	vadd.f32 v6, v11;
	v8 =	vld [tilespmem:s31+$0x50]  }
0x5a: {  	s7 =	sor.u32 s7, s16;
	s16 =	sadd.s32 s9, s6;
	[tilespmem:s1+$0x70] =	vst v7;
	s1 =	sadd.s32 s17, s6;
	v5 =	vadd.f32 v5, v15;
	v7 =	vld [tilespmem:s31+$0x60]  }
0x5b: {  	p0 =	slt.u32 s14, $0x3F0;
	s6 =	sor.u32 s17, s7;
	s7 =	sor.u32 s9, s7;
	v11 =	vld [tilespmem:s16+$0x70];
	[tilespmem:s31+$0x0] =	vst v6;
	v4 =	vadd.f32 v4, v14  }
0x5c: {  	v6 =	vld [tilespmem:s7+$0x70];
	[tilespmem:s31+$0x10] =	vst v5;
	v3 =	vadd.f32 v3, v10  }
0x5d: {  	v12 =	vld [tilespmem:s6+$0x0];
	[tilespmem:s31+$0x20] =	vst v4;
	v2 =	vadd.f32 v2, v9  }
0x5e: {  	v13 =	vld [tilespmem:s6+$0x10];
	[tilespmem:s31+$0x30] =	vst v3;
	v1 =	vadd.f32 v1, v8  }
0x5f: {  	v16 =	vld [tilespmem:s6+$0x20];
	[tilespmem:s31+$0x40] =	vst v2;
	v0 =	vadd.f32 v0, v7  }
0x60: {  	v18 =	vld [tilespmem:s6+$0x30];
	[tilespmem:s31+$0x50] =	vst v1  }
0x61: {  	v10 =	vld [tilespmem:s6+$0x40];
	v1 =	vadd.f32 v6, v11;
	[tilespmem:s31+$0x60] =	vst v0;
	s31 =	smov.u32 s16  }
0x62: {  	v9 =	vld [tilespmem:s6+$0x50]  }
0x63: {  	v8 =	vld [tilespmem:s6+$0x60];
	[tilespmem:s31+$0x70] =	vst v1  }
0x64: {  	v7 =	vld [tilespmem:s6+$0x70]  }
0x65: {  	v6 =	vld [tilespmem:s7+$0x0]  }
0x66: {  	v5 =	vld [tilespmem:s7+$0x10]  }
0x67: {  	v4 =	vld [tilespmem:s7+$0x20]  }
0x68: {  	v3 =	vld [tilespmem:s7+$0x30]  }
0x69: {  	v2 =	vld [tilespmem:s7+$0x40]  }
0x6a: {  	v1 =	vld [tilespmem:s7+$0x50]  }
0x6b: {  	v0 =	vld [tilespmem:s7+$0x60]  }
0x6c: {  	v11 =	vld [tilespmem:s1+$0x0]  }
0x6d: {  	v17 =	vld [tilespmem:s1+$0x10]  }
0x6e: {  	v19 =	vld [tilespmem:s1+$0x20]  }
0x6f: {  	v20 =	vld [tilespmem:s1+$0x30]  }
.Ltmp0:
0x70: {  	v15 =	vld [tilespmem:s1+$0x40];
	(pc) =	sbr.rel @p0 .LBB2_3-.Ltmp0, $4  }
0x71: {  	v11 =	vadd.f32 v12, v11;
	v14 =	vld [tilespmem:s1+$0x50]  }
0x72: {  	v21 =	vadd.f32 v13, v17;
	v13 =	vld [tilespmem:s1+$0x60]  }
0x73: {  	[tilespmem:s1+$0x0] =	vst v11;
	v17 =	vadd.f32 v16, v19;
	v12 =	vld [tilespmem:s1+$0x70]  }
0x74: {  	[tilespmem:s1+$0x10] =	vst v21;
	v16 =	vadd.f32 v18, v20;
	v11 =	vld [tilespmem:s31+$0x0]  }
0x75: {  	[tilespmem:s1+$0x20] =	vst v17;
	v10 =	vadd.f32 v10, v15;
	v58 =	vld [tilespmem:s31+$0x10]  }
0x76: {  	v59 =	vld [tilespmem:s31+$0x20];
	[tilespmem:s1+$0x30] =	vst v16;
	v9 =	vadd.f32 v9, v14  }
0x77: {  	v60 =	vld [tilespmem:s31+$0x30];
	[tilespmem:s1+$0x40] =	vst v10;
	v8 =	vadd.f32 v8, v13  }
0x78: {  	v61 =	vld [tilespmem:s31+$0x40];
	[tilespmem:s1+$0x50] =	vst v9;
	v7 =	vadd.f32 v7, v12  }
0x79: {  	v62 =	vld [tilespmem:s31+$0x50];
	[tilespmem:s1+$0x60] =	vst v8;
	v6 =	vadd.f32 v6, v11  }
0x7a: {  	v63 =	vld [tilespmem:s31+$0x60];
	[tilespmem:s1+$0x70] =	vst v7;
	v5 =	vadd.f32 v5, v58  }
0x7b: {  	v4 =	vadd.f32 v4, v59;
	[tilespmem:s31+$0x0] =	vst v6  }
0x7c: {  	s0 =	sor.u32 s5, s26;
	s24 =	sadd.s32 $0x1, s24;
	v3 =	vadd.f32 v3, v60;
	[tilespmem:s31+$0x10] =	vst v5  }
0x7d: {  	s0 =	sadd.s32 s30, s0;
	p0 =	sne.s32 s24, $0x40;
	v2 =	vadd.f32 v2, v61;
	[tilespmem:s31+$0x20] =	vst v4  }
.Ltmp1:
0x7e: {  	s30 =	sshll.u32 s28, $0x15;
	s0 =	sshll.u32 s0, $0xA;
	v1 =	vadd.f32 v1, v62;
	[tilespmem:s31+$0x30] =	vst v3;
	(pc) =	sbr.rel @p0 .LBB2_2-.Ltmp1, $4  }
0x7f: {  	s0 =	sadd.s32 s30, s0;
	v0 =	vadd.f32 v0, v63;
	[tilespmem:s31+$0x40] =	vst v2  }
0x80: {  	s0 =	sshrl.u32 s0, $0x3;
	[tilespmem:s31+$0x50] =	vst v1  }
0x81: {  	s0 =	sadd.s32 s3, s0;
	[tilespmem:s31+$0x60] =	vst v0;
	s31 =	sadd.s32 $0x6, s25  }
0x82: {  	[hbm4b:s0+s4] =	stream.linear.scatter [tilespmem:s29], [sflag:s31], $0x4000, $0x38;
	[tilespmem:$0x1C800] =	vst v63  }
0x83: {  	_ =	swait.ge [sflag:s18], $0x4000  }
0x84: {  	[sflag:s18] =	ssyncset.done $0x0  }
0x85: {  	[sflag:s18] =	ssyncadd.s32 $0xFFFFC000  }
0x86: {  	_ =	swait.ge [sflag:s19], $0x4000  }
0x87: {  	[sflag:s19] =	ssyncset.done $0x0  }
0x88: {  	[sflag:s19] =	ssyncadd.s32 $0xFFFFC000  }
0x89: {  	_ =	swait.ge [sflag:s20], $0x4000  }
0x8a: {  	[sflag:s20] =	ssyncset.done $0x0  }
0x8b: {  	s23 =	sadd.s32 $0x1, s23;
	[sflag:s20] =	ssyncadd.s32 $0xFFFFC000  }
0x8c: {  	p0 =	sne.s32 s23, s12;
	_ =	swait.ge [sflag:s21], $0x4000  }
.Ltmp2:
0x8d: {  	[sflag:s21] =	ssyncset.done $0x0;
	(pc) =	sbr.rel @p0 .LBB2_1-.Ltmp2, $4  }
0x8e: {  	[sflag:s21] =	ssyncadd.s32 $0xFFFFC000  }
0x8f: {  	_ =	swait.ge [sflag:s22], $0x4000  }
0x90: {  	[sflag:s22] =	ssyncset.done $0x0  }
0x91: {  	[sflag:s22] =	ssyncadd.s32 $0xFFFFC000  }
0x92: {  	_ =	sfence.sel $0x180000  }
0x93: {  	[bflag:$0x0] =	sbarrier.arrive $0xFFFF  }
0x94: {  	_ =	strace $0x90000047  }
0x95: {  	s0 =	stileid.u32;
	[bflag:$0x2] =	sbarrier.arrive $0xFFFF  }
0x96: {  	p0 =	sne.s32 s0, $0x0;
	s0 =	rddreg [dreg:$0x3]  }
0x97: {  	s0 =	sadd.s32 @!p0 $0x100000, s0  }
0x98: {  	[sflag:s0] =	ssyncadd.tile.s32 @!p0 $0x1;
	_ =	shalt  }
.Lfunc_end2:
_tile_overlayer_lowered:
.L_overlay_start_2:
0x99: {  	(tag) =	ssettag $0x2  }
0x9a: {  	s0 =	rddreg [dreg:$0x0];
	s2 =	stileid.u32  }
0x9b: {  	s1 =	rddreg [dreg:$0x1];
	p0 =	sne.s32 s2, $0x0  }
0x9c: {  	s3 =	rddreg [dreg:$0x2];
	[bflag:$0x3] =	sbarrier.arrive $0xFFFF;
	s2 =	simm.s32 @!p0 $0x1C0B  }
0x9d: {  	[timem:s3], [sflag:s2] =	dma.local @!p0 [hbm:s0], s1  }
0x9e: {  	s0 =	simm.s32 @!p0 $0xB  }
0x9f: {  	_ =	swait.ge @!p0 [sflag:s0], s1  }
0xa0: {  	s1 =	ssub.s32 @!p0 $0x0, s1;
	[sflag:s0] =	ssyncset.done @!p0 $0x0  }
0xa1: {  	[sflag:s0] =	ssyncadd.s32 @!p0 s1  }
0xa2: {  	[bflag:$0x3] =	sbarrier.arrive $0xFFFF  }
0xa3: {  	_ =	shalt  }

</sc_bundles>
